<compile_context>
chip_gen: v7x
topology: tpu7x:2x2x1
jax: 0.10.2.dev20260603
libtpu: 0.0.44.dev20260713+nightly
codegen_flags: <defaults>
</compile_context>

<pallas_src>
import functools

import jax
import jax.numpy as jnp
from jax import lax
from jax.experimental import pallas as pl
from jax.experimental.pallas import tpu as pltpu
from jax.experimental.pallas import tpu_sc as plsc

NC = 2
NS = 16
L = 16
NW = NC * NS

ROWS, COLS = 128, 32768
TOTAL = ROWS * COLS
SPLIT_R = 96

SC_ROWS = ROWS - SPLIT_R
STRIPE_R = 8
N_STRIPES = SC_ROWS // STRIPE_R
COL_SPLIT = NW // N_STRIPES
WCOLS = COLS // COL_SPLIT
CHUNK_C = min(4096, WCOLS // 2)
NCHUNK = WCOLS // CHUNK_C
VEC_ITERS = CHUNK_C // L

_mesh = plsc.VectorSubcoreMesh(core_axis_name="c", subcore_axis_name="s")


@functools.partial(
    pl.kernel,
    out_type=jax.ShapeDtypeStruct((NW, 2, L), jnp.int32),
    mesh=_mesh,
    scratch_types=[
        pltpu.VMEM((STRIPE_R, CHUNK_C), jnp.float32),
        pltpu.VMEM((STRIPE_R, CHUNK_C), jnp.float32),
        pltpu.VMEM((2, L), jnp.int32),
        pltpu.SemaphoreType.DMA,
        pltpu.SemaphoreType.DMA,
    ],
    compiler_params=pltpu.CompilerParams(
        use_tc_tiling_on_sc=True, needs_layout_passes=False
    ),
)
def _sc_count_neg(x_hbm, y_hbm, out_hbm, buf0, buf1, acc_v, sem0, sem1):
    wid = lax.axis_index("s") * NC + lax.axis_index("c")
    row0 = SPLIT_R + (wid % N_STRIPES) * STRIPE_R
    col0 = (wid // N_STRIPES) * WCOLS

    def src(hbm, j):
        return hbm.at[pl.ds(row0, STRIPE_R), pl.ds(col0 + j * CHUNK_C, CHUNK_C)]

    def chunk_count(buf, acc):
        def it(i, a):
            c = i * L
            for r in range(STRIPE_R):
                vi = plsc.bitcast(buf[r, pl.ds(c, L)], jnp.int32)
                a = a + lax.shift_right_arithmetic(vi, 31)
            return a
        return lax.fori_loop(0, VEC_ITERS, it, acc)

    pltpu.make_async_copy(src(x_hbm, 0), buf0, sem0).start()
    pltpu.make_async_copy(src(y_hbm, 0), buf1, sem1).start()

    def step(j, carry):
        accx, accy = carry
        pltpu.make_async_copy(src(x_hbm, j), buf0, sem0).wait()
        accx = chunk_count(buf0, accx)

        @pl.when(j + 1 < NCHUNK)
        def _():
            pltpu.make_async_copy(src(x_hbm, j + 1), buf0, sem0).start()

        pltpu.make_async_copy(src(y_hbm, j), buf1, sem1).wait()
        accy = chunk_count(buf1, accy)

        @pl.when(j + 1 < NCHUNK)
        def _():
            pltpu.make_async_copy(src(y_hbm, j + 1), buf1, sem1).start()

        return accx, accy

    zero = jnp.zeros((L,), jnp.int32)
    accx, accy = lax.fori_loop(0, NCHUNK, step, (zero, zero))

    acc_v[0, :] = accx
    acc_v[1, :] = accy
    pltpu.sync_copy(acc_v, out_hbm.at[wid])


TC_BLK_C = 4096
TC_GRID = COLS // TC_BLK_C


def _tc_body(x_ref, y_ref, a_ref, c_ref, accx, accy):
    i = pl.program_id(0)

    @pl.when(i == 0)
    def _():
        accx[...] = jnp.zeros_like(accx)
        accy[...] = jnp.zeros_like(accy)

    def signsum(ref, acc):
        vi = lax.bitcast_convert_type(ref[...], jnp.int32)
        neg = lax.shift_right_arithmetic(vi, 31)
        s = acc[...]
        for k in range(TC_BLK_C // 128):
            s = s + neg[:, k * 128:(k + 1) * 128]
        acc[...] = s

    signsum(x_ref, accx)
    signsum(y_ref, accy)

    @pl.when(i == TC_GRID - 1)
    def _():
        a_ref[0, 0] = jnp.sum(accx[...])
        c_ref[0, 0] = jnp.sum(accy[...])


_tc_count_neg = pl.pallas_call(
    _tc_body,
    grid=(TC_GRID,),
    in_specs=[
        pl.BlockSpec((SPLIT_R, TC_BLK_C), lambda i: (0, i)),
        pl.BlockSpec((SPLIT_R, TC_BLK_C), lambda i: (0, i)),
    ],
    out_specs=[
        pl.BlockSpec(memory_space=pltpu.SMEM),
        pl.BlockSpec(memory_space=pltpu.SMEM),
    ],
    out_shape=[
        jax.ShapeDtypeStruct((1, 1), jnp.int32),
        jax.ShapeDtypeStruct((1, 1), jnp.int32),
    ],
    scratch_shapes=[
        pltpu.VMEM((SPLIT_R, 128), jnp.int32),
        pltpu.VMEM((SPLIT_R, 128), jnp.int32),
    ],
)


def kernel(x, y):
    sc_part = _sc_count_neg(x, y)
    tc_a, tc_c = _tc_count_neg(x, y)
    sc_sum = jnp.sum(sc_part, axis=(0, 2), dtype=jnp.int32)
    a = TOTAL + sc_sum[0] + tc_a[0, 0]
    c = TOTAL + sc_sum[1] + tc_c[0, 0]
    return (a, c)

# --- scband reference (transcript-rebuilt; emitter-appended) ---
"""Pipeline reference for scband-compare-w-65532611002995 (READ-ONLY COPY).

The authoritative reference and input builder live on the scoring server;
editing this copy changes nothing except your own understanding.
"""

import jax, jax.numpy as jnp
import numpy as np


def setup_inputs(seed: int = 0) -> dict:
    key = jax.random.key(seed)
    k1, k2 = jax.random.split(key)
    x = jax.random.normal(k1, (128, 32768), dtype=jnp.float32)
    y = jax.random.normal(k2, (128, 32768), dtype=jnp.float32)
    return {"x": x, "y": y}


def reference(x, y):
    # Faithful translation of CompareW.forward:
    #   midx = sigmoid(x); midy = sigmoid(y)
    #   finx = midx >= 0.5; finy = midy >= 0.5
    #   a = torch.nonzero(finx).shape[0]  (count of True elements)
    #   c = torch.nonzero(finy).shape[0]
    midx = jax.nn.sigmoid(x)
    midy = jax.nn.sigmoid(y)
    finx = midx >= 0.5
    finy = midy >= 0.5
    a = jnp.sum(finx).astype(jnp.int32)
    c = jnp.sum(finy).astype(jnp.int32)
    return (a, c)

if __name__ == "__main__":
    import jax
    _d = setup_inputs()
    print(jax.jit(kernel)(*tuple(_d.values())))

</pallas_src>

<mosaic_0001>
#map = affine_map<(d0, d1) -> (0, 0)>
#map1 = affine_map<(d0, d1) -> (0, 0, 0)>
module attributes {stable_mosaic.version = 14 : i64} {
  func.func @_sc_count_neg(%arg0: i32, %arg1: i32, %arg2: memref<128x32768xf32, #tpu.memory_space<hbm>>, %arg3: memref<128x32768xf32, #tpu.memory_space<hbm>>, %arg4: memref<32x2x16xi32, #tpu.memory_space<hbm>>, %arg5: memref<8x2048xf32, #tpu.memory_space<vmem>>, %arg6: memref<8x2048xf32, #tpu.memory_space<vmem>>, %arg7: memref<2x16xi32, #tpu.memory_space<vmem>>, %arg8: memref<!tpu.dma_semaphore, #tpu.memory_space<semaphore_mem>>, %arg9: memref<!tpu.dma_semaphore, #tpu.memory_space<semaphore_mem>>) attributes {dimension_semantics = [#tpu.dimension_semantics<core_parallel>, #tpu.dimension_semantics<subcore_parallel>], iteration_bounds = array<i64: 2, 16>, scalar_prefetch = 0 : i64, scratch_operands = 5 : i64, tpu.core_type = #tpu.core_type<sc_vector_subcore>, window_params = [{transform_indices = #map}, {transform_indices = #map}, {transform_indices = #map1}]} {
    %mul3A = arith.constant 2 : i32
    %mul3A_0 = arith.muli %arg1, %mul3A : i32
    %add3A = arith.addi %mul3A_0, %arg0 : i32
    %jit3A = arith.constant 4 : i32
    %eq3A = arith.constant 0 : i32
    %eq3A_1 = arith.cmpi eq, %jit3A, %eq3A : i32
    %jit3A_2 = arith.constant 1 : i32
    %select_n3A = arith.select %eq3A_1, %jit3A_2, %jit3A : i32
    %rem3A = arith.remsi %add3A, %select_n3A : i32
    %ne3A = arith.constant 0 : i32
    %ne3A_3 = arith.cmpi ne, %rem3A, %ne3A : i32
    %lt3A = arith.constant 0 : i32
    %lt3A_4 = arith.cmpi slt, %rem3A, %lt3A : i32
    %lt3A_5 = arith.constant 0 : i32
    %lt3A_6 = arith.cmpi slt, %select_n3A, %lt3A_5 : i32
    %ne3A_7 = arith.xori %lt3A_4, %lt3A_6 : i1
    %and3A = arith.andi %ne3A_7, %ne3A_3 : i1
    %add3A_8 = arith.addi %rem3A, %select_n3A : i32
    %select_n3A_9 = arith.select %and3A, %add3A_8, %rem3A : i32
    %mul3A_10 = arith.constant 8 : i32
    %mul3A_11 = arith.muli %select_n3A_9, %mul3A_10 : i32
    %add3A_12 = arith.constant 96 : i32
    %add3A_13 = arith.addi %add3A_12, %mul3A_11 : i32
    %jit3A_14 = arith.constant 4 : i32
    %div3A = arith.divsi %add3A, %jit3A_14 : i32
    %sign3A = arith.constant 0 : i32
    %sign3A_15 = arith.cmpi sgt, %add3A, %sign3A : i32
    %sign3A_16 = arith.extui %sign3A_15 : i1 to i32
    %sign3A_17 = arith.constant 0 : i32
    %sign3A_18 = arith.cmpi slt, %add3A, %sign3A_17 : i32
    %sign3A_19 = arith.extui %sign3A_18 : i1 to i32
    %sign3A_20 = arith.subi %sign3A_16, %sign3A_19 : i32
    %sign3A_21 = arith.constant 0 : i32
    %sign3A_22 = arith.cmpi sgt, %jit3A_14, %sign3A_21 : i32
    %sign3A_23 = arith.extui %sign3A_22 : i1 to i32
    %sign3A_24 = arith.constant 0 : i32
    %sign3A_25 = arith.cmpi slt, %jit3A_14, %sign3A_24 : i32
    %sign3A_26 = arith.extui %sign3A_25 : i1 to i32
    %sign3A_27 = arith.subi %sign3A_23, %sign3A_26 : i32
    %ne3A_28 = arith.cmpi ne, %sign3A_20, %sign3A_27 : i32
    %rem3A_29 = arith.remsi %add3A, %jit3A_14 : i32
    %ne3A_30 = arith.constant 0 : i32
    %ne3A_31 = arith.cmpi ne, %rem3A_29, %ne3A_30 : i32
    %and3A_32 = arith.andi %ne3A_28, %ne3A_31 : i1
    %sub3A = arith.constant 1 : i32
    %sub3A_33 = arith.subi %div3A, %sub3A : i32
    %select_n3A_34 = arith.select %and3A_32, %sub3A_33, %div3A : i32
    %mul3A_35 = arith.constant 4096 : i32
    %mul3A_36 = arith.muli %select_n3A_34, %mul3A_35 : i32
    %add3A_37 = arith.constant 0 : i32
    %add3A_38 = arith.addi %mul3A_36, %add3A_37 : i32
    %dma_start3A = tpu.memref_slice %arg2[%add3A_13, %add3A_38] : memref<128x32768xf32, #tpu.memory_space<hbm>> -> memref<8x2048xf32, #tpu.memory_space<hbm>>
    %dma_start3A_39 = tpu.memref_slice %arg2[%add3A_13, %add3A_38] : memref<128x32768xf32, #tpu.memory_space<hbm>> -> memref<8x2048xf32, #tpu.memory_space<hbm>>
    tpu.enqueue_dma source(%dma_start3A_39 : memref<8x2048xf32, #tpu.memory_space<hbm>>) target(%arg5 : memref<8x2048xf32, #tpu.memory_space<vmem>>) target_semaphore(%arg8 : memref<!tpu.dma_semaphore, #tpu.memory_space<semaphore_mem>>)
    %add3A_40 = arith.constant 0 : i32
    %add3A_41 = arith.addi %mul3A_36, %add3A_40 : i32
    %dma_start3A_42 = tpu.memref_slice %arg3[%add3A_13, %add3A_41] : memref<128x32768xf32, #tpu.memory_space<hbm>> -> memref<8x2048xf32, #tpu.memory_space<hbm>>
    %dma_start3A_43 = tpu.memref_slice %arg3[%add3A_13, %add3A_41] : memref<128x32768xf32, #tpu.memory_space<hbm>> -> memref<8x2048xf32, #tpu.memory_space<hbm>>
    tpu.enqueue_dma source(%dma_start3A_43 : memref<8x2048xf32, #tpu.memory_space<hbm>>) target(%arg6 : memref<8x2048xf32, #tpu.memory_space<vmem>>) target_semaphore(%arg9 : memref<!tpu.dma_semaphore, #tpu.memory_space<semaphore_mem>>)
    %broadcast_in_dim3A = arith.constant 0 : i32
    %broadcast_in_dim3A_44 = vector.broadcast %broadcast_in_dim3A : i32 to vector<16xi32>
    %scan3A = arith.constant 0 : i32
    %scan3A_45 = arith.constant 2 : i32
    %scan3A_46 = arith.addi %scan3A, %scan3A_45 : i32
    %scan3A_47 = arith.constant 1 : i32
    %scan3A_48:2 = scf.for %scan3A_57 = %scan3A to %scan3A_46 step %scan3A_47 iter_args(%scan3A_58 = %broadcast_in_dim3A_44, %scan3A_59 = %broadcast_in_dim3A_44) -> (vector<16xi32>, vector<16xi32>)  : i32 {
      %mul3A_60 = arith.constant 2048 : i32
      %mul3A_61 = arith.muli %scan3A_57, %mul3A_60 : i32
      %add3A_62 = arith.addi %mul3A_36, %mul3A_61 : i32
      %dma_wait3A = tpu.memref_slice %arg2[%add3A_13, %add3A_62] : memref<128x32768xf32, #tpu.memory_space<hbm>> -> memref<8x2048xf32, #tpu.memory_space<hbm>>
      %dma_wait3A_63 = tpu.memref_slice %arg2[%add3A_13, %add3A_62] : memref<128x32768xf32, #tpu.memory_space<hbm>> -> memref<8x2048xf32, #tpu.memory_space<hbm>>
      tpu.wait_dma2 semaphore(%arg8 : memref<!tpu.dma_semaphore, #tpu.memory_space<semaphore_mem>>) src(%dma_wait3A_63 : memref<8x2048xf32, #tpu.memory_space<hbm>>) dst(%arg5 : memref<8x2048xf32, #tpu.memory_space<vmem>>)
      %scan3A_64 = arith.constant 0 : i32
      %scan3A_65 = arith.constant 128 : i32
      %scan3A_66 = arith.addi %scan3A_64, %scan3A_65 : i32
      %scan3A_67 = arith.constant 1 : i32
      %scan3A_68 = scf.for %scan3A_93 = %scan3A_64 to %scan3A_66 step %scan3A_67 iter_args(%scan3A_94 = %scan3A_58) -> (vector<16xi32>)  : i32 {
        %mul3A_95 = arith.constant 16 : i32
        %mul3A_96 = arith.muli %scan3A_93, %mul3A_95 : i32
        %get3A = arith.constant 0 : i32
        %get3A_97 = arith.index_cast %get3A : i32 to index
        %get3A_98 = arith.index_cast %mul3A_96 : i32 to index
        %get3A_99 = tpu.vector_load %arg5[%get3A_97, %get3A_98] {strides = array<i32>} : memref<8x2048xf32, #tpu.memory_space<vmem>>, vector<16xf32>,
        %bitcast3A = vector.bitcast %get3A_99 : vector<16xf32> to vector<16xi32>
        %shift_right_arithmetic3A = arith.constant 31 : i32
        %shift_right_arithmetic3A_100 = vector.broadcast %shift_right_arithmetic3A : i32 to vector<16xi32>
        %shift_right_arithmetic3A_101 = arith.shrsi %bitcast3A, %shift_right_arithmetic3A_100 : vector<16xi32>
        %add3A_102 = arith.addi %scan3A_94, %shift_right_arithmetic3A_101 : vector<16xi32>
        %get3A_103 = arith.constant 1 : i32
        %get3A_104 = arith.index_cast %get3A_103 : i32 to index
        %get3A_105 = arith.index_cast %mul3A_96 : i32 to index
        %get3A_106 = tpu.vector_load %arg5[%get3A_104, %get3A_105] {strides = array<i32>} : memref<8x2048xf32, #tpu.memory_space<vmem>>, vector<16xf32>,
        %bitcast3A_107 = vector.bitcast %get3A_106 : vector<16xf32> to vector<16xi32>
        %shift_right_arithmetic3A_108 = arith.constant 31 : i32
        %shift_right_arithmetic3A_109 = vector.broadcast %shift_right_arithmetic3A_108 : i32 to vector<16xi32>
        %shift_right_arithmetic3A_110 = arith.shrsi %bitcast3A_107, %shift_right_arithmetic3A_109 : vector<16xi32>
        %add3A_111 = arith.addi %add3A_102, %shift_right_arithmetic3A_110 : vector<16xi32>
        %get3A_112 = arith.constant 2 : i32
        %get3A_113 = arith.index_cast %get3A_112 : i32 to index
        %get3A_114 = arith.index_cast %mul3A_96 : i32 to index
        %get3A_115 = tpu.vector_load %arg5[%get3A_113, %get3A_114] {strides = array<i32>} : memref<8x2048xf32, #tpu.memory_space<vmem>>, vector<16xf32>,
        %bitcast3A_116 = vector.bitcast %get3A_115 : vector<16xf32> to vector<16xi32>
        %shift_right_arithmetic3A_117 = arith.constant 31 : i32
        %shift_right_arithmetic3A_118 = vector.broadcast %shift_right_arithmetic3A_117 : i32 to vector<16xi32>
        %shift_right_arithmetic3A_119 = arith.shrsi %bitcast3A_116, %shift_right_arithmetic3A_118 : vector<16xi32>
        %add3A_120 = arith.addi %add3A_111, %shift_right_arithmetic3A_119 : vector<16xi32>
        %get3A_121 = arith.constant 3 : i32
        %get3A_122 = arith.index_cast %get3A_121 : i32 to index
        %get3A_123 = arith.index_cast %mul3A_96 : i32 to index
        %get3A_124 = tpu.vector_load %arg5[%get3A_122, %get3A_123] {strides = array<i32>} : memref<8x2048xf32, #tpu.memory_space<vmem>>, vector<16xf32>,
        %bitcast3A_125 = vector.bitcast %get3A_124 : vector<16xf32> to vector<16xi32>
        %shift_right_arithmetic3A_126 = arith.constant 31 : i32
        %shift_right_arithmetic3A_127 = vector.broadcast %shift_right_arithmetic3A_126 : i32 to vector<16xi32>
        %shift_right_arithmetic3A_128 = arith.shrsi %bitcast3A_125, %shift_right_arithmetic3A_127 : vector<16xi32>
        %add3A_129 = arith.addi %add3A_120, %shift_right_arithmetic3A_128 : vector<16xi32>
        %get3A_130 = arith.constant 4 : i32
        %get3A_131 = arith.index_cast %get3A_130 : i32 to index
        %get3A_132 = arith.index_cast %mul3A_96 : i32 to index
        %get3A_133 = tpu.vector_load %arg5[%get3A_131, %get3A_132] {strides = array<i32>} : memref<8x2048xf32, #tpu.memory_space<vmem>>, vector<16xf32>,
        %bitcast3A_134 = vector.bitcast %get3A_133 : vector<16xf32> to vector<16xi32>
        %shift_right_arithmetic3A_135 = arith.constant 31 : i32
        %shift_right_arithmetic3A_136 = vector.broadcast %shift_right_arithmetic3A_135 : i32 to vector<16xi32>
        %shift_right_arithmetic3A_137 = arith.shrsi %bitcast3A_134, %shift_right_arithmetic3A_136 : vector<16xi32>
        %add3A_138 = arith.addi %add3A_129, %shift_right_arithmetic3A_137 : vector<16xi32>
        %get3A_139 = arith.constant 5 : i32
        %get3A_140 = arith.index_cast %get3A_139 : i32 to index
        %get3A_141 = arith.index_cast %mul3A_96 : i32 to index
        %get3A_142 = tpu.vector_load %arg5[%get3A_140, %get3A_141] {strides = array<i32>} : memref<8x2048xf32, #tpu.memory_space<vmem>>, vector<16xf32>,
        %bitcast3A_143 = vector.bitcast %get3A_142 : vector<16xf32> to vector<16xi32>
        %shift_right_arithmetic3A_144 = arith.constant 31 : i32
        %shift_right_arithmetic3A_145 = vector.broadcast %shift_right_arithmetic3A_144 : i32 to vector<16xi32>
        %shift_right_arithmetic3A_146 = arith.shrsi %bitcast3A_143, %shift_right_arithmetic3A_145 : vector<16xi32>
        %add3A_147 = arith.addi %add3A_138, %shift_right_arithmetic3A_146 : vector<16xi32>
        %get3A_148 = arith.constant 6 : i32
        %get3A_149 = arith.index_cast %get3A_148 : i32 to index
        %get3A_150 = arith.index_cast %mul3A_96 : i32 to index
        %get3A_151 = tpu.vector_load %arg5[%get3A_149, %get3A_150] {strides = array<i32>} : memref<8x2048xf32, #tpu.memory_space<vmem>>, vector<16xf32>,
        %bitcast3A_152 = vector.bitcast %get3A_151 : vector<16xf32> to vector<16xi32>
        %shift_right_arithmetic3A_153 = arith.constant 31 : i32
        %shift_right_arithmetic3A_154 = vector.broadcast %shift_right_arithmetic3A_153 : i32 to vector<16xi32>
        %shift_right_arithmetic3A_155 = arith.shrsi %bitcast3A_152, %shift_right_arithmetic3A_154 : vector<16xi32>
        %add3A_156 = arith.addi %add3A_147, %shift_right_arithmetic3A_155 : vector<16xi32>
        %get3A_157 = arith.constant 7 : i32
        %get3A_158 = arith.index_cast %get3A_157 : i32 to index
        %get3A_159 = arith.index_cast %mul3A_96 : i32 to index
        %get3A_160 = tpu.vector_load %arg5[%get3A_158, %get3A_159] {strides = array<i32>} : memref<8x2048xf32, #tpu.memory_space<vmem>>, vector<16xf32>,
        %bitcast3A_161 = vector.bitcast %get3A_160 : vector<16xf32> to vector<16xi32>
        %shift_right_arithmetic3A_162 = arith.constant 31 : i32
        %shift_right_arithmetic3A_163 = vector.broadcast %shift_right_arithmetic3A_162 : i32 to vector<16xi32>
        %shift_right_arithmetic3A_164 = arith.shrsi %bitcast3A_161, %shift_right_arithmetic3A_163 : vector<16xi32>
        %add3A_165 = arith.addi %add3A_156, %shift_right_arithmetic3A_164 : vector<16xi32>
        scf.yield %add3A_165 : vector<16xi32>
      }
      %scan3A_69 = arith.constant 128 : i32
      %add3A_70 = arith.constant 1 : i32
      %add3A_71 = arith.addi %scan3A_57, %add3A_70 : i32
      %lt3A_72 = arith.constant 2 : i32
      %lt3A_73 = arith.cmpi slt, %add3A_71, %lt3A_72 : i32
      %convert_element_type3A = arith.extui %lt3A_73 : i1 to i32
      %cond3A = arith.constant 0 : i32
      %cond3A_74 = arith.cmpi ne, %convert_element_type3A, %cond3A : i32
      scf.if %cond3A_74 {
        %add3A_93 = arith.constant 1 : i32
        %add3A_94 = arith.addi %scan3A_57, %add3A_93 : i32
        %mul3A_95 = arith.constant 2048 : i32
        %mul3A_96 = arith.muli %add3A_94, %mul3A_95 : i32
        %add3A_97 = arith.addi %mul3A_36, %mul3A_96 : i32
        %dma_start3A_98 = tpu.memref_slice %arg2[%add3A_13, %add3A_97] : memref<128x32768xf32, #tpu.memory_space<hbm>> -> memref<8x2048xf32, #tpu.memory_space<hbm>>
        %dma_start3A_99 = tpu.memref_slice %arg2[%add3A_13, %add3A_97] : memref<128x32768xf32, #tpu.memory_space<hbm>> -> memref<8x2048xf32, #tpu.memory_space<hbm>>
        tpu.enqueue_dma source(%dma_start3A_99 : memref<8x2048xf32, #tpu.memory_space<hbm>>) target(%arg5 : memref<8x2048xf32, #tpu.memory_space<vmem>>) target_semaphore(%arg8 : memref<!tpu.dma_semaphore, #tpu.memory_space<semaphore_mem>>)
      } else {
      }
      %mul3A_75 = arith.constant 2048 : i32
      %mul3A_76 = arith.muli %scan3A_57, %mul3A_75 : i32
      %add3A_77 = arith.addi %mul3A_36, %mul3A_76 : i32
      %dma_wait3A_78 = tpu.memref_slice %arg3[%add3A_13, %add3A_77] : memref<128x32768xf32, #tpu.memory_space<hbm>> -> memref<8x2048xf32, #tpu.memory_space<hbm>>
      %dma_wait3A_79 = tpu.memref_slice %arg3[%add3A_13, %add3A_77] : memref<128x32768xf32, #tpu.memory_space<hbm>> -> memref<8x2048xf32, #tpu.memory_space<hbm>>
      tpu.wait_dma2 semaphore(%arg9 : memref<!tpu.dma_semaphore, #tpu.memory_space<semaphore_mem>>) src(%dma_wait3A_79 : memref<8x2048xf32, #tpu.memory_space<hbm>>) dst(%arg6 : memref<8x2048xf32, #tpu.memory_space<vmem>>)
      %scan3A_80 = arith.constant 0 : i32
      %scan3A_81 = arith.constant 128 : i32
      %scan3A_82 = arith.addi %scan3A_80, %scan3A_81 : i32
      %scan3A_83 = arith.constant 1 : i32
      %scan3A_84 = scf.for %scan3A_93 = %scan3A_80 to %scan3A_82 step %scan3A_83 iter_args(%scan3A_94 = %scan3A_59) -> (vector<16xi32>)  : i32 {
        %mul3A_95 = arith.constant 16 : i32
        %mul3A_96 = arith.muli %scan3A_93, %mul3A_95 : i32
        %get3A = arith.constant 0 : i32
        %get3A_97 = arith.index_cast %get3A : i32 to index
        %get3A_98 = arith.index_cast %mul3A_96 : i32 to index
        %get3A_99 = tpu.vector_load %arg6[%get3A_97, %get3A_98] {strides = array<i32>} : memref<8x2048xf32, #tpu.memory_space<vmem>>, vector<16xf32>,
        %bitcast3A = vector.bitcast %get3A_99 : vector<16xf32> to vector<16xi32>
        %shift_right_arithmetic3A = arith.constant 31 : i32
        %shift_right_arithmetic3A_100 = vector.broadcast %shift_right_arithmetic3A : i32 to vector<16xi32>
        %shift_right_arithmetic3A_101 = arith.shrsi %bitcast3A, %shift_right_arithmetic3A_100 : vector<16xi32>
        %add3A_102 = arith.addi %scan3A_94, %shift_right_arithmetic3A_101 : vector<16xi32>
        %get3A_103 = arith.constant 1 : i32
        %get3A_104 = arith.index_cast %get3A_103 : i32 to index
        %get3A_105 = arith.index_cast %mul3A_96 : i32 to index
        %get3A_106 = tpu.vector_load %arg6[%get3A_104, %get3A_105] {strides = array<i32>} : memref<8x2048xf32, #tpu.memory_space<vmem>>, vector<16xf32>,
        %bitcast3A_107 = vector.bitcast %get3A_106 : vector<16xf32> to vector<16xi32>
        %shift_right_arithmetic3A_108 = arith.constant 31 : i32
        %shift_right_arithmetic3A_109 = vector.broadcast %shift_right_arithmetic3A_108 : i32 to vector<16xi32>
        %shift_right_arithmetic3A_110 = arith.shrsi %bitcast3A_107, %shift_right_arithmetic3A_109 : vector<16xi32>
        %add3A_111 = arith.addi %add3A_102, %shift_right_arithmetic3A_110 : vector<16xi32>
        %get3A_112 = arith.constant 2 : i32
        %get3A_113 = arith.index_cast %get3A_112 : i32 to index
        %get3A_114 = arith.index_cast %mul3A_96 : i32 to index
        %get3A_115 = tpu.vector_load %arg6[%get3A_113, %get3A_114] {strides = array<i32>} : memref<8x2048xf32, #tpu.memory_space<vmem>>, vector<16xf32>,
        %bitcast3A_116 = vector.bitcast %get3A_115 : vector<16xf32> to vector<16xi32>
        %shift_right_arithmetic3A_117 = arith.constant 31 : i32
        %shift_right_arithmetic3A_118 = vector.broadcast %shift_right_arithmetic3A_117 : i32 to vector<16xi32>
        %shift_right_arithmetic3A_119 = arith.shrsi %bitcast3A_116, %shift_right_arithmetic3A_118 : vector<16xi32>
        %add3A_120 = arith.addi %add3A_111, %shift_right_arithmetic3A_119 : vector<16xi32>
        %get3A_121 = arith.constant 3 : i32
        %get3A_122 = arith.index_cast %get3A_121 : i32 to index
        %get3A_123 = arith.index_cast %mul3A_96 : i32 to index
        %get3A_124 = tpu.vector_load %arg6[%get3A_122, %get3A_123] {strides = array<i32>} : memref<8x2048xf32, #tpu.memory_space<vmem>>, vector<16xf32>,
        %bitcast3A_125 = vector.bitcast %get3A_124 : vector<16xf32> to vector<16xi32>
        %shift_right_arithmetic3A_126 = arith.constant 31 : i32
        %shift_right_arithmetic3A_127 = vector.broadcast %shift_right_arithmetic3A_126 : i32 to vector<16xi32>
        %shift_right_arithmetic3A_128 = arith.shrsi %bitcast3A_125, %shift_right_arithmetic3A_127 : vector<16xi32>
        %add3A_129 = arith.addi %add3A_120, %shift_right_arithmetic3A_128 : vector<16xi32>
        %get3A_130 = arith.constant 4 : i32
        %get3A_131 = arith.index_cast %get3A_130 : i32 to index
        %get3A_132 = arith.index_cast %mul3A_96 : i32 to index
        %get3A_133 = tpu.vector_load %arg6[%get3A_131, %get3A_132] {strides = array<i32>} : memref<8x2048xf32, #tpu.memory_space<vmem>>, vector<16xf32>,
        %bitcast3A_134 = vector.bitcast %get3A_133 : vector<16xf32> to vector<16xi32>
        %shift_right_arithmetic3A_135 = arith.constant 31 : i32
        %shift_right_arithmetic3A_136 = vector.broadcast %shift_right_arithmetic3A_135 : i32 to vector<16xi32>
        %shift_right_arithmetic3A_137 = arith.shrsi %bitcast3A_134, %shift_right_arithmetic3A_136 : vector<16xi32>
        %add3A_138 = arith.addi %add3A_129, %shift_right_arithmetic3A_137 : vector<16xi32>
        %get3A_139 = arith.constant 5 : i32
        %get3A_140 = arith.index_cast %get3A_139 : i32 to index
        %get3A_141 = arith.index_cast %mul3A_96 : i32 to index
        %get3A_142 = tpu.vector_load %arg6[%get3A_140, %get3A_141] {strides = array<i32>} : memref<8x2048xf32, #tpu.memory_space<vmem>>, vector<16xf32>,
        %bitcast3A_143 = vector.bitcast %get3A_142 : vector<16xf32> to vector<16xi32>
        %shift_right_arithmetic3A_144 = arith.constant 31 : i32
        %shift_right_arithmetic3A_145 = vector.broadcast %shift_right_arithmetic3A_144 : i32 to vector<16xi32>
        %shift_right_arithmetic3A_146 = arith.shrsi %bitcast3A_143, %shift_right_arithmetic3A_145 : vector<16xi32>
        %add3A_147 = arith.addi %add3A_138, %shift_right_arithmetic3A_146 : vector<16xi32>
        %get3A_148 = arith.constant 6 : i32
        %get3A_149 = arith.index_cast %get3A_148 : i32 to index
        %get3A_150 = arith.index_cast %mul3A_96 : i32 to index
        %get3A_151 = tpu.vector_load %arg6[%get3A_149, %get3A_150] {strides = array<i32>} : memref<8x2048xf32, #tpu.memory_space<vmem>>, vector<16xf32>,
        %bitcast3A_152 = vector.bitcast %get3A_151 : vector<16xf32> to vector<16xi32>
        %shift_right_arithmetic3A_153 = arith.constant 31 : i32
        %shift_right_arithmetic3A_154 = vector.broadcast %shift_right_arithmetic3A_153 : i32 to vector<16xi32>
        %shift_right_arithmetic3A_155 = arith.shrsi %bitcast3A_152, %shift_right_arithmetic3A_154 : vector<16xi32>
        %add3A_156 = arith.addi %add3A_147, %shift_right_arithmetic3A_155 : vector<16xi32>
        %get3A_157 = arith.constant 7 : i32
        %get3A_158 = arith.index_cast %get3A_157 : i32 to index
        %get3A_159 = arith.index_cast %mul3A_96 : i32 to index
        %get3A_160 = tpu.vector_load %arg6[%get3A_158, %get3A_159] {strides = array<i32>} : memref<8x2048xf32, #tpu.memory_space<vmem>>, vector<16xf32>,
        %bitcast3A_161 = vector.bitcast %get3A_160 : vector<16xf32> to vector<16xi32>
        %shift_right_arithmetic3A_162 = arith.constant 31 : i32
        %shift_right_arithmetic3A_163 = vector.broadcast %shift_right_arithmetic3A_162 : i32 to vector<16xi32>
        %shift_right_arithmetic3A_164 = arith.shrsi %bitcast3A_161, %shift_right_arithmetic3A_163 : vector<16xi32>
        %add3A_165 = arith.addi %add3A_156, %shift_right_arithmetic3A_164 : vector<16xi32>
        scf.yield %add3A_165 : vector<16xi32>
      }
      %scan3A_85 = arith.constant 128 : i32
      %add3A_86 = arith.constant 1 : i32
      %add3A_87 = arith.addi %scan3A_57, %add3A_86 : i32
      %lt3A_88 = arith.constant 2 : i32
      %lt3A_89 = arith.cmpi slt, %add3A_87, %lt3A_88 : i32
      %convert_element_type3A_90 = arith.extui %lt3A_89 : i1 to i32
      %cond3A_91 = arith.constant 0 : i32
      %cond3A_92 = arith.cmpi ne, %convert_element_type3A_90, %cond3A_91 : i32
      scf.if %cond3A_92 {
        %add3A_93 = arith.constant 1 : i32
        %add3A_94 = arith.addi %scan3A_57, %add3A_93 : i32
        %mul3A_95 = arith.constant 2048 : i32
        %mul3A_96 = arith.muli %add3A_94, %mul3A_95 : i32
        %add3A_97 = arith.addi %mul3A_36, %mul3A_96 : i32
        %dma_start3A_98 = tpu.memref_slice %arg3[%add3A_13, %add3A_97] : memref<128x32768xf32, #tpu.memory_space<hbm>> -> memref<8x2048xf32, #tpu.memory_space<hbm>>
        %dma_start3A_99 = tpu.memref_slice %arg3[%add3A_13, %add3A_97] : memref<128x32768xf32, #tpu.memory_space<hbm>> -> memref<8x2048xf32, #tpu.memory_space<hbm>>
        tpu.enqueue_dma source(%dma_start3A_99 : memref<8x2048xf32, #tpu.memory_space<hbm>>) target(%arg6 : memref<8x2048xf32, #tpu.memory_space<vmem>>) target_semaphore(%arg9 : memref<!tpu.dma_semaphore, #tpu.memory_space<semaphore_mem>>)
      } else {
      }
      scf.yield %scan3A_68, %scan3A_84 : vector<16xi32>, vector<16xi32>
    }
    %scan3A_49 = arith.constant 2 : i32
    %swap3A = arith.constant 0 : i32
    %swap3A_50 = arith.index_cast %swap3A : i32 to index
    %swap3A_51 = arith.constant 0 : index
    %swap3A_52 = tpu.vector_load %arg7[%swap3A_50, %swap3A_51] {strides = array<i32>} : memref<2x16xi32, #tpu.memory_space<vmem>>, vector<16xi32>,
    tpu.vector_store %arg7[%swap3A_50, %swap3A_51], %scan3A_48#0 {strides = array<i32>} : memref<2x16xi32, #tpu.memory_space<vmem>>, vector<16xi32>,
    %swap3A_53 = arith.constant 1 : i32
    %swap3A_54 = arith.index_cast %swap3A_53 : i32 to index
    %swap3A_55 = arith.constant 0 : index
    %swap3A_56 = tpu.vector_load %arg7[%swap3A_54, %swap3A_55] {strides = array<i32>} : memref<2x16xi32, #tpu.memory_space<vmem>>, vector<16xi32>,
    tpu.vector_store %arg7[%swap3A_54, %swap3A_55], %scan3A_48#1 {strides = array<i32>} : memref<2x16xi32, #tpu.memory_space<vmem>>, vector<16xi32>,
    "tpu.region"() ({
      %run_scoped3A = tpu.sem_alloc : memref<!tpu.dma_semaphore, #tpu.memory_space<semaphore_mem>>
      %dma_start3A_57 = arith.constant 0 : i32
      %dma_start3A_58 = arith.constant 0 : i32
      %dma_start3A_59 = tpu.memref_slice %arg4[%add3A, %dma_start3A_57, %dma_start3A_58] : memref<32x2x16xi32, #tpu.memory_space<hbm>> -> memref<1x2x16xi32, #tpu.memory_space<hbm>>
      %dma_start3A_60 = tpu.memref_squeeze %dma_start3A_59 : memref<1x2x16xi32, #tpu.memory_space<hbm>> -> memref<2x16xi32, #tpu.memory_space<hbm>>
      %dma_start3A_61 = arith.constant 0 : i32
      %dma_start3A_62 = arith.constant 0 : i32
      %dma_start3A_63 = tpu.memref_slice %arg4[%add3A, %dma_start3A_61, %dma_start3A_62] : memref<32x2x16xi32, #tpu.memory_space<hbm>> -> memref<1x2x16xi32, #tpu.memory_space<hbm>>
      %dma_start3A_64 = tpu.memref_squeeze %dma_start3A_63 : memref<1x2x16xi32, #tpu.memory_space<hbm>> -> memref<2x16xi32, #tpu.memory_space<hbm>>
      tpu.enqueue_dma source(%arg7 : memref<2x16xi32, #tpu.memory_space<vmem>>) target(%dma_start3A_64 : memref<2x16xi32, #tpu.memory_space<hbm>>) target_semaphore(%run_scoped3A : memref<!tpu.dma_semaphore, #tpu.memory_space<semaphore_mem>>)
      %dma_wait3A = arith.constant 0 : i32
      %dma_wait3A_65 = arith.constant 0 : i32
      %dma_wait3A_66 = tpu.memref_slice %arg4[%add3A, %dma_wait3A, %dma_wait3A_65] : memref<32x2x16xi32, #tpu.memory_space<hbm>> -> memref<1x2x16xi32, #tpu.memory_space<hbm>>
      %dma_wait3A_67 = tpu.memref_squeeze %dma_wait3A_66 : memref<1x2x16xi32, #tpu.memory_space<hbm>> -> memref<2x16xi32, #tpu.memory_space<hbm>>
      %dma_wait3A_68 = arith.constant 0 : i32
      %dma_wait3A_69 = arith.constant 0 : i32
      %dma_wait3A_70 = tpu.memref_slice %arg4[%add3A, %dma_wait3A_68, %dma_wait3A_69] : memref<32x2x16xi32, #tpu.memory_space<hbm>> -> memref<1x2x16xi32, #tpu.memory_space<hbm>>
      %dma_wait3A_71 = tpu.memref_squeeze %dma_wait3A_70 : memref<1x2x16xi32, #tpu.memory_space<hbm>> -> memref<2x16xi32, #tpu.memory_space<hbm>>
      tpu.wait_dma2 semaphore(%run_scoped3A : memref<!tpu.dma_semaphore, #tpu.memory_space<semaphore_mem>>) src(%arg7 : memref<2x16xi32, #tpu.memory_space<vmem>>) dst(%dma_wait3A_71 : memref<2x16xi32, #tpu.memory_space<hbm>>)
      tpu.yield
    }) : () -> ()
    return
  }
}

module attributes {stable_mosaic.version = 14 : i64} {
  func.func @_tc_body(%arg0: i32, %arg1: memref<96x4096xf32, #tpu.memory_space<vmem>>, %arg2: memref<96x4096xf32, #tpu.memory_space<vmem>>, %arg3: memref<1x1xi32, #tpu.memory_space<smem>>, %arg4: memref<1x1xi32, #tpu.memory_space<smem>>, %arg5: memref<96x128xi32, #tpu.memory_space<vmem>>, %arg6: memref<96x128xi32, #tpu.memory_space<vmem>>) attributes {dimension_semantics = [#tpu.dimension_semantics<arbitrary>], iteration_bounds = array<i64: 8>, scalar_prefetch = 0 : i64, scratch_operands = 2 : i64, tpu.core_type = #tpu.core_type<tc>, window_params = [{transform_indices = @transform_0, window_bounds = array<i64: 96, 4096>}, {transform_indices = @transform_1, window_bounds = array<i64: 96, 4096>}, {transform_indices = @transform_2, window_bounds = array<i64: 1, 1>}, {transform_indices = @transform_3, window_bounds = array<i64: 1, 1>}]} {
    %eq3A = arith.constant 0 : i32
    %eq3A_0 = arith.cmpi eq, %arg0, %eq3A : i32
    %convert_element_type3A = arith.extui %eq3A_0 : i1 to i32
    %cond3A = arith.constant 0 : i32
    %cond3A_1 = arith.cmpi ne, %convert_element_type3A, %cond3A : i32
    scf.if %cond3A_1 {
      %broadcast_in_dim3A = arith.constant 0 : i32
      %broadcast_in_dim3A_155 = vector.broadcast %broadcast_in_dim3A : i32 to vector<96x128xi32>
      %swap3A_156 = arith.constant 0 : index
      %swap3A_157 = arith.constant 0 : index
      %swap3A_158 = vector.load %arg5[%swap3A_156, %swap3A_157] : memref<96x128xi32, #tpu.memory_space<vmem>>, vector<96x128xi32>
      tpu.vector_store %arg5[%swap3A_156, %swap3A_157], %broadcast_in_dim3A_155 {strides = array<i32>} : memref<96x128xi32, #tpu.memory_space<vmem>>, vector<96x128xi32>,
      %broadcast_in_dim3A_159 = arith.constant 0 : i32
      %broadcast_in_dim3A_160 = vector.broadcast %broadcast_in_dim3A_159 : i32 to vector<96x128xi32>
      %swap3A_161 = arith.constant 0 : index
      %swap3A_162 = arith.constant 0 : index
      %swap3A_163 = vector.load %arg6[%swap3A_161, %swap3A_162] : memref<96x128xi32, #tpu.memory_space<vmem>>, vector<96x128xi32>
      tpu.vector_store %arg6[%swap3A_161, %swap3A_162], %broadcast_in_dim3A_160 {strides = array<i32>} : memref<96x128xi32, #tpu.memory_space<vmem>>, vector<96x128xi32>,
    } else {
    }
    %get3A = arith.constant 0 : index
    %get3A_2 = arith.constant 0 : index
    %get3A_3 = vector.load %arg1[%get3A, %get3A_2] : memref<96x4096xf32, #tpu.memory_space<vmem>>, vector<96x4096xf32>
    %bitcast_convert_type3A = tpu.bitcast %get3A_3 : vector<96x4096xf32> -> vector<96x4096xi32>
    %shift_right_arithmetic3A = arith.constant 31 : i32
    %shift_right_arithmetic3A_4 = vector.broadcast %shift_right_arithmetic3A : i32 to vector<96x4096xi32>
    %shift_right_arithmetic3A_5 = arith.shrsi %bitcast_convert_type3A, %shift_right_arithmetic3A_4 : vector<96x4096xi32>
    %get3A_6 = arith.constant 0 : index
    %get3A_7 = arith.constant 0 : index
    %get3A_8 = vector.load %arg5[%get3A_6, %get3A_7] : memref<96x128xi32, #tpu.memory_space<vmem>>, vector<96x128xi32>
    %slice3A = vector.extract_strided_slice %shift_right_arithmetic3A_5 {offsets = [0, 0], sizes = [96, 128], strides = [1, 1]} : vector<96x4096xi32> to vector<96x128xi32>
    %add3A = arith.addi %get3A_8, %slice3A : vector<96x128xi32>
    %slice3A_9 = vector.extract_strided_slice %shift_right_arithmetic3A_5 {offsets = [0, 128], sizes = [96, 128], strides = [1, 1]} : vector<96x4096xi32> to vector<96x128xi32>
    %add3A_10 = arith.addi %add3A, %slice3A_9 : vector<96x128xi32>
    %slice3A_11 = vector.extract_strided_slice %shift_right_arithmetic3A_5 {offsets = [0, 256], sizes = [96, 128], strides = [1, 1]} : vector<96x4096xi32> to vector<96x128xi32>
    %add3A_12 = arith.addi %add3A_10, %slice3A_11 : vector<96x128xi32>
    %slice3A_13 = vector.extract_strided_slice %shift_right_arithmetic3A_5 {offsets = [0, 384], sizes = [96, 128], strides = [1, 1]} : vector<96x4096xi32> to vector<96x128xi32>
    %add3A_14 = arith.addi %add3A_12, %slice3A_13 : vector<96x128xi32>
    %slice3A_15 = vector.extract_strided_slice %shift_right_arithmetic3A_5 {offsets = [0, 512], sizes = [96, 128], strides = [1, 1]} : vector<96x4096xi32> to vector<96x128xi32>
    %add3A_16 = arith.addi %add3A_14, %slice3A_15 : vector<96x128xi32>
    %slice3A_17 = vector.extract_strided_slice %shift_right_arithmetic3A_5 {offsets = [0, 640], sizes = [96, 128], strides = [1, 1]} : vector<96x4096xi32> to vector<96x128xi32>
    %add3A_18 = arith.addi %add3A_16, %slice3A_17 : vector<96x128xi32>
    %slice3A_19 = vector.extract_strided_slice %shift_right_arithmetic3A_5 {offsets = [0, 768], sizes = [96, 128], strides = [1, 1]} : vector<96x4096xi32> to vector<96x128xi32>
    %add3A_20 = arith.addi %add3A_18, %slice3A_19 : vector<96x128xi32>
    %slice3A_21 = vector.extract_strided_slice %shift_right_arithmetic3A_5 {offsets = [0, 896], sizes = [96, 128], strides = [1, 1]} : vector<96x4096xi32> to vector<96x128xi32>
    %add3A_22 = arith.addi %add3A_20, %slice3A_21 : vector<96x128xi32>
    %slice3A_23 = vector.extract_strided_slice %shift_right_arithmetic3A_5 {offsets = [0, 1024], sizes = [96, 128], strides = [1, 1]} : vector<96x4096xi32> to vector<96x128xi32>
    %add3A_24 = arith.addi %add3A_22, %slice3A_23 : vector<96x128xi32>
    %slice3A_25 = vector.extract_strided_slice %shift_right_arithmetic3A_5 {offsets = [0, 1152], sizes = [96, 128], strides = [1, 1]} : vector<96x4096xi32> to vector<96x128xi32>
    %add3A_26 = arith.addi %add3A_24, %slice3A_25 : vector<96x128xi32>
    %slice3A_27 = vector.extract_strided_slice %shift_right_arithmetic3A_5 {offsets = [0, 1280], sizes = [96, 128], strides = [1, 1]} : vector<96x4096xi32> to vector<96x128xi32>
    %add3A_28 = arith.addi %add3A_26, %slice3A_27 : vector<96x128xi32>
    %slice3A_29 = vector.extract_strided_slice %shift_right_arithmetic3A_5 {offsets = [0, 1408], sizes = [96, 128], strides = [1, 1]} : vector<96x4096xi32> to vector<96x128xi32>
    %add3A_30 = arith.addi %add3A_28, %slice3A_29 : vector<96x128xi32>
    %slice3A_31 = vector.extract_strided_slice %shift_right_arithmetic3A_5 {offsets = [0, 1536], sizes = [96, 128], strides = [1, 1]} : vector<96x4096xi32> to vector<96x128xi32>
    %add3A_32 = arith.addi %add3A_30, %slice3A_31 : vector<96x128xi32>
    %slice3A_33 = vector.extract_strided_slice %shift_right_arithmetic3A_5 {offsets = [0, 1664], sizes = [96, 128], strides = [1, 1]} : vector<96x4096xi32> to vector<96x128xi32>
    %add3A_34 = arith.addi %add3A_32, %slice3A_33 : vector<96x128xi32>
    %slice3A_35 = vector.extract_strided_slice %shift_right_arithmetic3A_5 {offsets = [0, 1792], sizes = [96, 128], strides = [1, 1]} : vector<96x4096xi32> to vector<96x128xi32>
    %add3A_36 = arith.addi %add3A_34, %slice3A_35 : vector<96x128xi32>
    %slice3A_37 = vector.extract_strided_slice %shift_right_arithmetic3A_5 {offsets = [0, 1920], sizes = [96, 128], strides = [1, 1]} : vector<96x4096xi32> to vector<96x128xi32>
    %add3A_38 = arith.addi %add3A_36, %slice3A_37 : vector<96x128xi32>
    %slice3A_39 = vector.extract_strided_slice %shift_right_arithmetic3A_5 {offsets = [0, 2048], sizes = [96, 128], strides = [1, 1]} : vector<96x4096xi32> to vector<96x128xi32>
    %add3A_40 = arith.addi %add3A_38, %slice3A_39 : vector<96x128xi32>
    %slice3A_41 = vector.extract_strided_slice %shift_right_arithmetic3A_5 {offsets = [0, 2176], sizes = [96, 128], strides = [1, 1]} : vector<96x4096xi32> to vector<96x128xi32>
    %add3A_42 = arith.addi %add3A_40, %slice3A_41 : vector<96x128xi32>
    %slice3A_43 = vector.extract_strided_slice %shift_right_arithmetic3A_5 {offsets = [0, 2304], sizes = [96, 128], strides = [1, 1]} : vector<96x4096xi32> to vector<96x128xi32>
    %add3A_44 = arith.addi %add3A_42, %slice3A_43 : vector<96x128xi32>
    %slice3A_45 = vector.extract_strided_slice %shift_right_arithmetic3A_5 {offsets = [0, 2432], sizes = [96, 128], strides = [1, 1]} : vector<96x4096xi32> to vector<96x128xi32>
    %add3A_46 = arith.addi %add3A_44, %slice3A_45 : vector<96x128xi32>
    %slice3A_47 = vector.extract_strided_slice %shift_right_arithmetic3A_5 {offsets = [0, 2560], sizes = [96, 128], strides = [1, 1]} : vector<96x4096xi32> to vector<96x128xi32>
    %add3A_48 = arith.addi %add3A_46, %slice3A_47 : vector<96x128xi32>
    %slice3A_49 = vector.extract_strided_slice %shift_right_arithmetic3A_5 {offsets = [0, 2688], sizes = [96, 128], strides = [1, 1]} : vector<96x4096xi32> to vector<96x128xi32>
    %add3A_50 = arith.addi %add3A_48, %slice3A_49 : vector<96x128xi32>
    %slice3A_51 = vector.extract_strided_slice %shift_right_arithmetic3A_5 {offsets = [0, 2816], sizes = [96, 128], strides = [1, 1]} : vector<96x4096xi32> to vector<96x128xi32>
    %add3A_52 = arith.addi %add3A_50, %slice3A_51 : vector<96x128xi32>
    %slice3A_53 = vector.extract_strided_slice %shift_right_arithmetic3A_5 {offsets = [0, 2944], sizes = [96, 128], strides = [1, 1]} : vector<96x4096xi32> to vector<96x128xi32>
    %add3A_54 = arith.addi %add3A_52, %slice3A_53 : vector<96x128xi32>
    %slice3A_55 = vector.extract_strided_slice %shift_right_arithmetic3A_5 {offsets = [0, 3072], sizes = [96, 128], strides = [1, 1]} : vector<96x4096xi32> to vector<96x128xi32>
    %add3A_56 = arith.addi %add3A_54, %slice3A_55 : vector<96x128xi32>
    %slice3A_57 = vector.extract_strided_slice %shift_right_arithmetic3A_5 {offsets = [0, 3200], sizes = [96, 128], strides = [1, 1]} : vector<96x4096xi32> to vector<96x128xi32>
    %add3A_58 = arith.addi %add3A_56, %slice3A_57 : vector<96x128xi32>
    %slice3A_59 = vector.extract_strided_slice %shift_right_arithmetic3A_5 {offsets = [0, 3328], sizes = [96, 128], strides = [1, 1]} : vector<96x4096xi32> to vector<96x128xi32>
    %add3A_60 = arith.addi %add3A_58, %slice3A_59 : vector<96x128xi32>
    %slice3A_61 = vector.extract_strided_slice %shift_right_arithmetic3A_5 {offsets = [0, 3456], sizes = [96, 128], strides = [1, 1]} : vector<96x4096xi32> to vector<96x128xi32>
    %add3A_62 = arith.addi %add3A_60, %slice3A_61 : vector<96x128xi32>
    %slice3A_63 = vector.extract_strided_slice %shift_right_arithmetic3A_5 {offsets = [0, 3584], sizes = [96, 128], strides = [1, 1]} : vector<96x4096xi32> to vector<96x128xi32>
    %add3A_64 = arith.addi %add3A_62, %slice3A_63 : vector<96x128xi32>
    %slice3A_65 = vector.extract_strided_slice %shift_right_arithmetic3A_5 {offsets = [0, 3712], sizes = [96, 128], strides = [1, 1]} : vector<96x4096xi32> to vector<96x128xi32>
    %add3A_66 = arith.addi %add3A_64, %slice3A_65 : vector<96x128xi32>
    %slice3A_67 = vector.extract_strided_slice %shift_right_arithmetic3A_5 {offsets = [0, 3840], sizes = [96, 128], strides = [1, 1]} : vector<96x4096xi32> to vector<96x128xi32>
    %add3A_68 = arith.addi %add3A_66, %slice3A_67 : vector<96x128xi32>
    %slice3A_69 = vector.extract_strided_slice %shift_right_arithmetic3A_5 {offsets = [0, 3968], sizes = [96, 128], strides = [1, 1]} : vector<96x4096xi32> to vector<96x128xi32>
    %add3A_70 = arith.addi %add3A_68, %slice3A_69 : vector<96x128xi32>
    %swap3A = arith.constant 0 : index
    %swap3A_71 = arith.constant 0 : index
    %swap3A_72 = vector.load %arg5[%swap3A, %swap3A_71] : memref<96x128xi32, #tpu.memory_space<vmem>>, vector<96x128xi32>
    tpu.vector_store %arg5[%swap3A, %swap3A_71], %add3A_70 {strides = array<i32>} : memref<96x128xi32, #tpu.memory_space<vmem>>, vector<96x128xi32>,
    %get3A_73 = arith.constant 0 : index
    %get3A_74 = arith.constant 0 : index
    %get3A_75 = vector.load %arg2[%get3A_73, %get3A_74] : memref<96x4096xf32, #tpu.memory_space<vmem>>, vector<96x4096xf32>
    %bitcast_convert_type3A_76 = tpu.bitcast %get3A_75 : vector<96x4096xf32> -> vector<96x4096xi32>
    %shift_right_arithmetic3A_77 = arith.constant 31 : i32
    %shift_right_arithmetic3A_78 = vector.broadcast %shift_right_arithmetic3A_77 : i32 to vector<96x4096xi32>
    %shift_right_arithmetic3A_79 = arith.shrsi %bitcast_convert_type3A_76, %shift_right_arithmetic3A_78 : vector<96x4096xi32>
    %get3A_80 = arith.constant 0 : index
    %get3A_81 = arith.constant 0 : index
    %get3A_82 = vector.load %arg6[%get3A_80, %get3A_81] : memref<96x128xi32, #tpu.memory_space<vmem>>, vector<96x128xi32>
    %slice3A_83 = vector.extract_strided_slice %shift_right_arithmetic3A_79 {offsets = [0, 0], sizes = [96, 128], strides = [1, 1]} : vector<96x4096xi32> to vector<96x128xi32>
    %add3A_84 = arith.addi %get3A_82, %slice3A_83 : vector<96x128xi32>
    %slice3A_85 = vector.extract_strided_slice %shift_right_arithmetic3A_79 {offsets = [0, 128], sizes = [96, 128], strides = [1, 1]} : vector<96x4096xi32> to vector<96x128xi32>
    %add3A_86 = arith.addi %add3A_84, %slice3A_85 : vector<96x128xi32>
    %slice3A_87 = vector.extract_strided_slice %shift_right_arithmetic3A_79 {offsets = [0, 256], sizes = [96, 128], strides = [1, 1]} : vector<96x4096xi32> to vector<96x128xi32>
    %add3A_88 = arith.addi %add3A_86, %slice3A_87 : vector<96x128xi32>
    %slice3A_89 = vector.extract_strided_slice %shift_right_arithmetic3A_79 {offsets = [0, 384], sizes = [96, 128], strides = [1, 1]} : vector<96x4096xi32> to vector<96x128xi32>
    %add3A_90 = arith.addi %add3A_88, %slice3A_89 : vector<96x128xi32>
    %slice3A_91 = vector.extract_strided_slice %shift_right_arithmetic3A_79 {offsets = [0, 512], sizes = [96, 128], strides = [1, 1]} : vector<96x4096xi32> to vector<96x128xi32>
    %add3A_92 = arith.addi %add3A_90, %slice3A_91 : vector<96x128xi32>
    %slice3A_93 = vector.extract_strided_slice %shift_right_arithmetic3A_79 {offsets = [0, 640], sizes = [96, 128], strides = [1, 1]} : vector<96x4096xi32> to vector<96x128xi32>
    %add3A_94 = arith.addi %add3A_92, %slice3A_93 : vector<96x128xi32>
    %slice3A_95 = vector.extract_strided_slice %shift_right_arithmetic3A_79 {offsets = [0, 768], sizes = [96, 128], strides = [1, 1]} : vector<96x4096xi32> to vector<96x128xi32>
    %add3A_96 = arith.addi %add3A_94, %slice3A_95 : vector<96x128xi32>
    %slice3A_97 = vector.extract_strided_slice %shift_right_arithmetic3A_79 {offsets = [0, 896], sizes = [96, 128], strides = [1, 1]} : vector<96x4096xi32> to vector<96x128xi32>
    %add3A_98 = arith.addi %add3A_96, %slice3A_97 : vector<96x128xi32>
    %slice3A_99 = vector.extract_strided_slice %shift_right_arithmetic3A_79 {offsets = [0, 1024], sizes = [96, 128], strides = [1, 1]} : vector<96x4096xi32> to vector<96x128xi32>
    %add3A_100 = arith.addi %add3A_98, %slice3A_99 : vector<96x128xi32>
    %slice3A_101 = vector.extract_strided_slice %shift_right_arithmetic3A_79 {offsets = [0, 1152], sizes = [96, 128], strides = [1, 1]} : vector<96x4096xi32> to vector<96x128xi32>
    %add3A_102 = arith.addi %add3A_100, %slice3A_101 : vector<96x128xi32>
    %slice3A_103 = vector.extract_strided_slice %shift_right_arithmetic3A_79 {offsets = [0, 1280], sizes = [96, 128], strides = [1, 1]} : vector<96x4096xi32> to vector<96x128xi32>
    %add3A_104 = arith.addi %add3A_102, %slice3A_103 : vector<96x128xi32>
    %slice3A_105 = vector.extract_strided_slice %shift_right_arithmetic3A_79 {offsets = [0, 1408], sizes = [96, 128], strides = [1, 1]} : vector<96x4096xi32> to vector<96x128xi32>
    %add3A_106 = arith.addi %add3A_104, %slice3A_105 : vector<96x128xi32>
    %slice3A_107 = vector.extract_strided_slice %shift_right_arithmetic3A_79 {offsets = [0, 1536], sizes = [96, 128], strides = [1, 1]} : vector<96x4096xi32> to vector<96x128xi32>
    %add3A_108 = arith.addi %add3A_106, %slice3A_107 : vector<96x128xi32>
    %slice3A_109 = vector.extract_strided_slice %shift_right_arithmetic3A_79 {offsets = [0, 1664], sizes = [96, 128], strides = [1, 1]} : vector<96x4096xi32> to vector<96x128xi32>
    %add3A_110 = arith.addi %add3A_108, %slice3A_109 : vector<96x128xi32>
    %slice3A_111 = vector.extract_strided_slice %shift_right_arithmetic3A_79 {offsets = [0, 1792], sizes = [96, 128], strides = [1, 1]} : vector<96x4096xi32> to vector<96x128xi32>
    %add3A_112 = arith.addi %add3A_110, %slice3A_111 : vector<96x128xi32>
    %slice3A_113 = vector.extract_strided_slice %shift_right_arithmetic3A_79 {offsets = [0, 1920], sizes = [96, 128], strides = [1, 1]} : vector<96x4096xi32> to vector<96x128xi32>
    %add3A_114 = arith.addi %add3A_112, %slice3A_113 : vector<96x128xi32>
    %slice3A_115 = vector.extract_strided_slice %shift_right_arithmetic3A_79 {offsets = [0, 2048], sizes = [96, 128], strides = [1, 1]} : vector<96x4096xi32> to vector<96x128xi32>
    %add3A_116 = arith.addi %add3A_114, %slice3A_115 : vector<96x128xi32>
    %slice3A_117 = vector.extract_strided_slice %shift_right_arithmetic3A_79 {offsets = [0, 2176], sizes = [96, 128], strides = [1, 1]} : vector<96x4096xi32> to vector<96x128xi32>
    %add3A_118 = arith.addi %add3A_116, %slice3A_117 : vector<96x128xi32>
    %slice3A_119 = vector.extract_strided_slice %shift_right_arithmetic3A_79 {offsets = [0, 2304], sizes = [96, 128], strides = [1, 1]} : vector<96x4096xi32> to vector<96x128xi32>
    %add3A_120 = arith.addi %add3A_118, %slice3A_119 : vector<96x128xi32>
    %slice3A_121 = vector.extract_strided_slice %shift_right_arithmetic3A_79 {offsets = [0, 2432], sizes = [96, 128], strides = [1, 1]} : vector<96x4096xi32> to vector<96x128xi32>
    %add3A_122 = arith.addi %add3A_120, %slice3A_121 : vector<96x128xi32>
    %slice3A_123 = vector.extract_strided_slice %shift_right_arithmetic3A_79 {offsets = [0, 2560], sizes = [96, 128], strides = [1, 1]} : vector<96x4096xi32> to vector<96x128xi32>
    %add3A_124 = arith.addi %add3A_122, %slice3A_123 : vector<96x128xi32>
    %slice3A_125 = vector.extract_strided_slice %shift_right_arithmetic3A_79 {offsets = [0, 2688], sizes = [96, 128], strides = [1, 1]} : vector<96x4096xi32> to vector<96x128xi32>
    %add3A_126 = arith.addi %add3A_124, %slice3A_125 : vector<96x128xi32>
    %slice3A_127 = vector.extract_strided_slice %shift_right_arithmetic3A_79 {offsets = [0, 2816], sizes = [96, 128], strides = [1, 1]} : vector<96x4096xi32> to vector<96x128xi32>
    %add3A_128 = arith.addi %add3A_126, %slice3A_127 : vector<96x128xi32>
    %slice3A_129 = vector.extract_strided_slice %shift_right_arithmetic3A_79 {offsets = [0, 2944], sizes = [96, 128], strides = [1, 1]} : vector<96x4096xi32> to vector<96x128xi32>
    %add3A_130 = arith.addi %add3A_128, %slice3A_129 : vector<96x128xi32>
    %slice3A_131 = vector.extract_strided_slice %shift_right_arithmetic3A_79 {offsets = [0, 3072], sizes = [96, 128], strides = [1, 1]} : vector<96x4096xi32> to vector<96x128xi32>
    %add3A_132 = arith.addi %add3A_130, %slice3A_131 : vector<96x128xi32>
    %slice3A_133 = vector.extract_strided_slice %shift_right_arithmetic3A_79 {offsets = [0, 3200], sizes = [96, 128], strides = [1, 1]} : vector<96x4096xi32> to vector<96x128xi32>
    %add3A_134 = arith.addi %add3A_132, %slice3A_133 : vector<96x128xi32>
    %slice3A_135 = vector.extract_strided_slice %shift_right_arithmetic3A_79 {offsets = [0, 3328], sizes = [96, 128], strides = [1, 1]} : vector<96x4096xi32> to vector<96x128xi32>
    %add3A_136 = arith.addi %add3A_134, %slice3A_135 : vector<96x128xi32>
    %slice3A_137 = vector.extract_strided_slice %shift_right_arithmetic3A_79 {offsets = [0, 3456], sizes = [96, 128], strides = [1, 1]} : vector<96x4096xi32> to vector<96x128xi32>
    %add3A_138 = arith.addi %add3A_136, %slice3A_137 : vector<96x128xi32>
    %slice3A_139 = vector.extract_strided_slice %shift_right_arithmetic3A_79 {offsets = [0, 3584], sizes = [96, 128], strides = [1, 1]} : vector<96x4096xi32> to vector<96x128xi32>
    %add3A_140 = arith.addi %add3A_138, %slice3A_139 : vector<96x128xi32>
    %slice3A_141 = vector.extract_strided_slice %shift_right_arithmetic3A_79 {offsets = [0, 3712], sizes = [96, 128], strides = [1, 1]} : vector<96x4096xi32> to vector<96x128xi32>
    %add3A_142 = arith.addi %add3A_140, %slice3A_141 : vector<96x128xi32>
    %slice3A_143 = vector.extract_strided_slice %shift_right_arithmetic3A_79 {offsets = [0, 3840], sizes = [96, 128], strides = [1, 1]} : vector<96x4096xi32> to vector<96x128xi32>
    %add3A_144 = arith.addi %add3A_142, %slice3A_143 : vector<96x128xi32>
    %slice3A_145 = vector.extract_strided_slice %shift_right_arithmetic3A_79 {offsets = [0, 3968], sizes = [96, 128], strides = [1, 1]} : vector<96x4096xi32> to vector<96x128xi32>
    %add3A_146 = arith.addi %add3A_144, %slice3A_145 : vector<96x128xi32>
    %swap3A_147 = arith.constant 0 : index
    %swap3A_148 = arith.constant 0 : index
    %swap3A_149 = vector.load %arg6[%swap3A_147, %swap3A_148] : memref<96x128xi32, #tpu.memory_space<vmem>>, vector<96x128xi32>
    tpu.vector_store %arg6[%swap3A_147, %swap3A_148], %add3A_146 {strides = array<i32>} : memref<96x128xi32, #tpu.memory_space<vmem>>, vector<96x128xi32>,
    %eq3A_150 = arith.constant 7 : i32
    %eq3A_151 = arith.cmpi eq, %arg0, %eq3A_150 : i32
    %convert_element_type3A_152 = arith.extui %eq3A_151 : i1 to i32
    %cond3A_153 = arith.constant 0 : i32
    %cond3A_154 = arith.cmpi ne, %convert_element_type3A_152, %cond3A_153 : i32
    scf.if %cond3A_154 {
      %get3A_155 = arith.constant 0 : index
      %get3A_156 = arith.constant 0 : index
      %get3A_157 = vector.load %arg5[%get3A_155, %get3A_156] : memref<96x128xi32, #tpu.memory_space<vmem>>, vector<96x128xi32>
      %reduce_sum3A = vector.shape_cast %get3A_157 : vector<96x128xi32> to vector<1x96x128xi32>
      %reduce_sum3A_158 = arith.constant dense<0> : vector<1xi32>
      %reduce_sum3A_159 = vector.multi_reduction <add>, %reduce_sum3A, %reduce_sum3A_158 [1, 2] : vector<1x96x128xi32> to vector<1xi32>
      %reduce_sum3A_160 = vector.shape_cast %reduce_sum3A_159 : vector<1xi32> to vector<1x1x1xi32>
      %reduce_sum3A_161 = vector.extract %reduce_sum3A_160[0, 0, 0] : i32 from vector<1x1x1xi32>
      %swap3A_162 = arith.constant 0 : index
      %swap3A_163 = arith.constant 0 : index
      %swap3A_164 = memref.load %arg3[%swap3A_162, %swap3A_163] : memref<1x1xi32, #tpu.memory_space<smem>>
      memref.store %reduce_sum3A_161, %arg3[%swap3A_162, %swap3A_163] : memref<1x1xi32, #tpu.memory_space<smem>>
      %get3A_165 = arith.constant 0 : index
      %get3A_166 = arith.constant 0 : index
      %get3A_167 = vector.load %arg6[%get3A_165, %get3A_166] : memref<96x128xi32, #tpu.memory_space<vmem>>, vector<96x128xi32>
      %reduce_sum3A_168 = vector.shape_cast %get3A_167 : vector<96x128xi32> to vector<1x96x128xi32>
      %reduce_sum3A_169 = arith.constant dense<0> : vector<1xi32>
      %reduce_sum3A_170 = vector.multi_reduction <add>, %reduce_sum3A_168, %reduce_sum3A_169 [1, 2] : vector<1x96x128xi32> to vector<1xi32>
      %reduce_sum3A_171 = vector.shape_cast %reduce_sum3A_170 : vector<1xi32> to vector<1x1x1xi32>
      %reduce_sum3A_172 = vector.extract %reduce_sum3A_171[0, 0, 0] : i32 from vector<1x1x1xi32>
      %swap3A_173 = arith.constant 0 : index
      %swap3A_174 = arith.constant 0 : index
      %swap3A_175 = memref.load %arg4[%swap3A_173, %swap3A_174] : memref<1x1xi32, #tpu.memory_space<smem>>
      memref.store %reduce_sum3A_172, %arg4[%swap3A_173, %swap3A_174] : memref<1x1xi32, #tpu.memory_space<smem>>
    } else {
    }
    return
  }
  func.func @transform_0(%arg0: i32) -> (i32, i32) {
    %c0_i32 = arith.constant 0 : i32
    %c0_i32_0 = arith.constant 0 : i32
    return %c0_i32, %arg0 : i32, i32
  }
  func.func @transform_1(%arg0: i32) -> (i32, i32) {
    %c0_i32 = arith.constant 0 : i32
    %c0_i32_0 = arith.constant 0 : i32
    return %c0_i32, %arg0 : i32, i32
  }
  func.func @transform_2(%arg0: i32) -> (i32, i32) {
    %c0_i32 = arith.constant 0 : i32
    %c0_i32_0 = arith.constant 0 : i32
    %c0_i32_1 = arith.constant 0 : i32
    return %c0_i32, %c0_i32_0 : i32, i32
  }
  func.func @transform_3(%arg0: i32) -> (i32, i32) {
    %c0_i32 = arith.constant 0 : i32
    %c0_i32_0 = arith.constant 0 : i32
    %c0_i32_1 = arith.constant 0 : i32
    return %c0_i32, %c0_i32_0 : i32, i32
  }
}

</mosaic_0001>

<sc_bundles>
// kernel: kernel.4.cloned.1.call-start
scs
__scs_entry_jumppad:
0x0: {  	(pc) =	sbr.rel $0x88, $3  }
0x1: {  	(tag) =	ssettag $0x0;
	lr =	simm.s32 $0x1  }
0x2: {  	[smem:$0x3F9F] =	sst lr;
	_ =	strace $0xD0000000  }
0x3: {  	_ = 	snop  }
0x4: {  	_ = 	snop  }
0x5: {  	_ = 	snop  }
0x6: {  	_ = 	snop  }
0x7: {  	_ = 	snop  }
__scs_overlays_trampoline_lowered:
0x8: {  	[smem:$0x3FAE] =	sst s0  }
0x9: {  	[smem:$0x3FAF] =	sst s1  }
0xa: {  	[smem:$0x3FB0] =	sst s2  }
0xb: {  	[smem:$0x3FB1] =	sst s3  }
0xc: {  	[smem:$0x3FB2] =	sst s4  }
0xd: {  	[smem:$0x3FB3] =	sst s5  }
0xe: {  	[smem:$0x3FB4] =	sst s6  }
0xf: {  	[smem:$0x3FB5] =	sst s7  }
0x10: {  	[smem:$0x3FB6] =	sst s8  }
0x11: {  	[smem:$0x3FB7] =	sst s9;
	s0 =	simm.s32 @!p0 $0x0  }
0x12: {  	s1 =	sld [smem:$0x3F9D];
	s0 =	simm.s32 @p0 $0x1  }
0x13: {  	[smem:$0x3FB8] =	sst s0;
	s0 =	simm.s32 @!p1 $0x0  }
0x14: {  	s2 =	sld [smem:$0x3F9C];
	s0 =	simm.s32 @p1 $0x1  }
0x15: {  	[smem:$0x3FB9] =	sst s0;
	s0 =	simm.s32 @!p2 $0x0  }
0x16: {  	s3 =	sld [smem:$0x3FDB];
	s0 =	simm.s32 @p2 $0x1  }
0x17: {  	s4 =	simm.s32 $0x1BF5;
	[smem:$0x3FBB] =	sst s0  }
0x18: {  	s0 =	sld [smem:$0x3F9E];
	_ =	swait.ge [sflag:s4], $0x0  }
0x19: {  	s7 =	sld [smem:$0x3F9F]  }
0x1a: {  	s8 =	sadd.s32 $0xFFFFE003, lr  }
0x1b: {  	s9 =	sadd.s32 $0xFFFFFEF7, lr;
	s5 =	simm.s32 $0xFFFFFFFF;
	p2 =	slt.u32 s8, $0xFFFFF086  }
0x1c: {  	p1 =	slt.u32 s9, $0xF7A;
	s5 =	simm.s32 @!p2 $0x0  }
0x1d: {  	s5 =	simm.s32 @p1 $0x1;
	p0 =	seq.s32 s7, s2  }
0x1e: {  	s7 =	smul.u32 @!p0 $0xF7A, s2;
	p2 =	seq.s32 @!p0 s5, $0x0  }
0x1f: {  	s9 =	smul.u32 $0xF7A, s1;
	s8 =	simm.s32 @!p0 $0x1BF5;
	p2 =	por !p2, p0  }
0x20: {  	[sflag:s8] =	ssyncset.s32 @!p0 $0xFFFFF086;
	s6 =	sadd.s32 @!p0 s3, s7;
	s7 =	simm.s32 @!p0 $0x108  }
0x21: {  	s3 =	sadd.s32 s3, s9;
	s6 =	sadd.s32 @!p0 $0x88, s6;
	s7 =	simm.s32 @p2 $0x1082  }
0x22: {  	[simem:s7], [sflag:s8] =	dma.local @!p0 [hbm:s6], $0xF7A  }
0x23: {  	s9 =	sor.u32 $0xD0000000, s2;
	s6 =	simm.s32 $0x108;
	_ =	swait.ge @!p0 [sflag:s8], $0x0  }
0x24: {  	s3 =	sadd.s32 $0x88, s3;
	s6 =	simm.s32 @!p1 $0x1082;
	[sflag:s4] =	ssyncset.s32 $0xFFFFF086  }
0x25: {  	[simem:s6], [sflag:s4] =	dma.local [hbm:s3], $0xF7A  }
0x26: {  	[smem:$0x3F9F] =	sst s1;
	(tag) =	ssettag s2;
	_ =	strace s9  }
0x27: {  	s1 =	sld [smem:$0x3FAF]  }
0x28: {  	s2 =	sld [smem:$0x3FB0]  }
0x29: {  	s4 =	sld [smem:$0x3FB2]  }
0x2a: {  	p0 =	seq.s32 s5, $0x0;
	s5 =	sld [smem:$0x3FB3]  }
0x2b: {  	s6 =	sld [smem:$0x3FB4]  }
0x2c: {  	s7 =	sld [smem:$0x3FB5]  }
0x2d: {  	s3 =	simm.s32 $0x108;
	s8 =	sld [smem:$0x3FB6]  }
0x2e: {  	s3 =	simm.s32 @!p0 $0x1082;
	s9 =	sld [smem:$0x3FB7]  }
0x2f: {  	lr =	sadd.s32 s0, s3;
	s0 =	sld [smem:$0x3FAE]  }
0x30: {  	s3 =	sld [smem:$0x3FB1]  }
0x31: {  	[smem:$0x3FBA] =	sst s10  }
0x32: {  	s10 =	sld [smem:$0x3FB8];
	_ =	sdelay $0x3  }
0x33: {  	p0 =	seq.s32 s10, $0x1;
	s10 =	sld [smem:$0x3FBA];
	_ =	sdelay $0x3  }
0x34: {  	[smem:$0x3FBA] =	sst s10  }
0x35: {  	s10 =	sld [smem:$0x3FB9];
	_ =	sdelay $0x3  }
0x36: {  	p1 =	seq.s32 s10, $0x1;
	s10 =	sld [smem:$0x3FBA];
	_ =	sdelay $0x3  }
0x37: {  	[smem:$0x3FBA] =	sst s10  }
0x38: {  	s10 =	sld [smem:$0x3FBB]  }
0x39: {  	_ = 	snop;
	(pc) =	sbr.ind lr, $3  }
0x3a: {  	_ = 	snop  }
0x3b: {  	_ = 	snop  }
0x3c: {  	p2 =	seq.s32 s10, $0x1;
	s10 =	sld [smem:$0x3FBA]  }
0x3d: {  	_ =	shalt  }
0x3e: {  	_ =	shalt  }
0x3f: {  	_ =	shalt  }
0x40: {  	_ =	shalt  }
0x41: {  	_ =	shalt  }
0x42: {  	_ =	shalt  }
0x43: {  	_ =	shalt  }
0x44: {  	_ =	shalt  }
0x45: {  	_ =	shalt  }
0x46: {  	_ =	shalt  }
0x47: {  	_ =	shalt  }
0x48: {  	_ =	shalt  }
0x49: {  	_ =	shalt  }
0x4a: {  	_ =	shalt  }
0x4b: {  	_ =	shalt  }
0x4c: {  	_ =	shalt  }
0x4d: {  	_ =	shalt  }
0x4e: {  	_ =	shalt  }
0x4f: {  	_ =	shalt  }
0x50: {  	_ =	shalt  }
0x51: {  	_ =	shalt  }
0x52: {  	_ =	shalt  }
0x53: {  	_ =	shalt  }
0x54: {  	_ =	shalt  }
0x55: {  	_ =	shalt  }
0x56: {  	_ =	shalt  }
0x57: {  	_ =	shalt  }
0x58: {  	_ =	shalt  }
0x59: {  	_ =	shalt  }
0x5a: {  	_ =	shalt  }
0x5b: {  	_ =	shalt  }
0x5c: {  	_ =	shalt  }
0x5d: {  	_ =	shalt  }
0x5e: {  	_ =	shalt  }
0x5f: {  	_ =	shalt  }
0x60: {  	_ =	shalt  }
0x61: {  	_ =	shalt  }
0x62: {  	_ =	shalt  }
0x63: {  	_ =	shalt  }
0x64: {  	_ =	shalt  }
0x65: {  	_ =	shalt  }
0x66: {  	_ =	shalt  }
0x67: {  	_ =	shalt  }
0x68: {  	_ =	shalt  }
0x69: {  	_ =	shalt  }
0x6a: {  	_ =	shalt  }
0x6b: {  	_ =	shalt  }
0x6c: {  	_ =	shalt  }
0x6d: {  	_ =	shalt  }
0x6e: {  	_ =	shalt  }
0x6f: {  	_ =	shalt  }
0x70: {  	_ =	shalt  }
0x71: {  	_ =	shalt  }
0x72: {  	_ =	shalt  }
0x73: {  	_ =	shalt  }
0x74: {  	_ =	shalt  }
0x75: {  	_ =	shalt  }
0x76: {  	_ =	shalt  }
0x77: {  	_ =	shalt  }
0x78: {  	_ =	shalt  }
0x79: {  	_ =	shalt  }
0x7a: {  	_ =	shalt  }
0x7b: {  	_ =	shalt  }
0x7c: {  	_ =	shalt  }
0x7d: {  	_ =	shalt  }
0x7e: {  	_ =	shalt  }
0x7f: {  	_ =	shalt  }
0x80: {  	_ =	shalt  }
0x81: {  	_ =	shalt  }
0x82: {  	_ =	shalt  }
0x83: {  	_ =	shalt  }
0x84: {  	_ =	shalt  }
0x85: {  	_ =	shalt  }
0x86: {  	_ =	shalt  }
0x87: {  	_ =	shalt  }
.Lfunc_end0:
.L_simem_size_0:
called_computation_lowered:
.L_overlay_start_0:
0x88: {  	s2 =	sld [smem:$0x3FD9]  }
0x89: {  	s3 =	sld [smem:$0x3FFE];
	_ =	sdelay $0x1  }
0x8a: {  	s1 =	srdreg.scid  }
0x8b: {  	s0 =	sand.u32 $0x1, s1  }
0x8c: {  	s17 =	sshll.u32 s0, $0xA;
	s2 =	sadd.s32 s3, s2  }
0x8d: {  	s2 =	sadd.s32 s2, s17  }
0x8e: {  	[smem:$0x3FC6] =	sst s2  }
0x8f: {  	_ = 	snop  }
0x90: {  	s2 =	sld [smem:$0x3FC9]  }
0x91: {  	s18 =	sld [smem:$0x3FC8];
	(tm) =	ssettm $0x1  }
0x92: {  	s4 =	sld [smem:$0x3FFB];
	_ =	sdelay $0x3  }
0x93: {  	_ =	strace s4  }
0x94: {  	s4 =	sld [smem:$0x3FFC];
	_ =	sdelay $0x3  }
0x95: {  	_ =	strace s4  }
0x96: {  	s4 =	sld [smem:$0x3FFD];
	_ =	sdelay $0x3  }
0x97: {  	_ =	strace s4  }
0x98: {  	_ =	strace $0x8FFFFFFF  }
0x99: {  	s19 =	sld [smem:$0x3FDB];
	_ =	sdelay $0x1  }
0x9a: {  	s5 =	simm.s32 $_scs_section_size  }
0x9b: {  	s6 =	simm.s32 $_size__tile_overlayer_lowered;
	s7 =	simm.s32 $_tile_overlayer_lowered  }
0x9c: {  	s22 =	simm.s32 $0x1BFF;
	s21 =	sshll.u32 s7, $0x1;
	s4 =	sadd.s32 s5, s19  }
0x9d: {  	s8 =	simm.s32 $0x0;
	s20 =	sshll.u32 s6, $0x1;
	s6 =	sadd.s32 s21, s4  }
0x9e: {  	[timem:s8], [sflag:s22] =	dma.local [hbm:s6], s20  }
0x9f: {  	_ =	swait.ge [sflag:s22], s20  }
0xa0: {  	s5 =	ssub.s32 $0x0, s20;
	[sflag:s22] =	ssyncset.done $0x0  }
0xa1: {  	[sflag:s22] =	ssyncadd.s32 s5;
	_ =	sdelay $0x1  }
0xa2: {  	s23 =	simm.s32 $0x1B8B  }
0xa3: {  	_ =	swait.ge [sflag:s23], $0x1  }
0xa4: {  	[sflag:s23] =	ssyncset.done $0x0  }
0xa5: {  	s25 =	simm.s32 $0x1B8E;
	s24 =	sld [smem:$0x3FFE];
	[sflag:s23] =	ssyncadd.s32 $0xFFFFFFFF  }
0xa6: {  	s26 =	simm.s32 $execute0_lowered;
	[smem:$0x3FD2] =	sst s25  }
0xa7: {  	s6 =	sshll.u32 s26, $0x1;
	_ =	strace $0x80000046;
	[dreg:$0x1] =	wrdreg $0xFFFFFFFF  }
0xa8: {  	s28 =	simm.s32 $_size_execute0_lowered;
	s4 =	sadd.s32 s4, s6;
	[dreg:$0x0] =	wrdreg $0x0  }
0xa9: {  	s6 =	sshll.u32 s28, $0x1;
	[dreg:$0x2] =	wrdreg s4  }
0xaa: {  	[dreg:$0x3] =	wrdreg s6  }
0xab: {  	[dreg:$0x4] =	wrdreg $0xC0  }
0xac: {  	_ =	task [dreg:s8], $0x5FFFF  }
0xad: {  	[dreg:$0x1] =	wrdreg $0xFFFFFFFF  }
0xae: {  	[dreg:$0x0] =	wrdreg $0x60  }
0xaf: {  	[dreg:$0x2] =	wrdreg s2  }
0xb0: {  	[dreg:$0x3] =	wrdreg s18  }
0xb1: {  	[dreg:$0x4] =	wrdreg s24  }
0xb2: {  	[dreg:$0x5] =	wrdreg $0x9  }
0xb3: {  	_ =	task.clear_ibuf [dreg:s8], $0x6FFFF;
	_ =	strace $0x90000046  }
0xb4: {  	s29 =	simm.s32 $0x9;
	_ =	strace $0x80000048  }
0xb5: {  	_ =	swait.ge [sflag:s29], $0x1  }
0xb6: {  	[sflag:s29] =	ssyncadd.s32 $0xFFFFFFFF  }
0xb7: {  	_ =	strace $0x90000048  }
0xb8: {  	_ =	sfence  }
0xb9: {  	s30 =	sld [smem:$0x0];
	_ =	sdelay $0x2  }
0xba: {  	s31 =	sshll.u32 s1, $0xD;
	s1 =	sshrl.u32 s1, $0x2  }
0xbb: {  	s3 =	sand.u32 $0x4000, s31;
	s1 =	sadd.s32 s1, s30  }
0xbc: {  	s0 =	sor.u32 s3, s0;
	s1 =	sshll.u32 s1, $0x11  }
0xbd: {  	s0 =	sor.u32 s1, s0  }
0xbe: {  	s0 =	sadd.s32 $0x8F2B, s0  }
0xbf: {  	[sflag:s0] =	ssyncadd.remote.s32 $0x1  }
0xc0: {  	_ =	sfence.sel $0xFFFF  }
0xc1: {  	[dreg:$0x0] =	wrdreg $0xFFFFFFFF;
	(pc) =	sbr.abs _section_cstart, $3  }
0xc2: {  	[dreg:$0x1] =	wrdreg $0xFFFFFFFF  }
0xc3: {  	_ =	task.clear_ibuf [dreg:s8], $0x2FFFF;
	_ =	strace $0x9FFFFFFF  }
0xc4: {  	(tm) =	ssettm $0x7FFFFFFF  }
0xc5: {  	_ =	shalt  }
tec
execute0_lowered:
.L_overlay_start_1:
0x0: {  	(tag) =	ssettag $0x1  }
0x1: {  	s5 =	rddreg [dreg:$0x0]  }
0x2: {  	s6 =	rddreg [dreg:$0x1]  }
0x3: {  	s1 =	srdreg.scid;
	s0 =	stileid.u32  }
0x4: {  	s3 =	rddreg [dreg:$0x2];
	s2 =	simm.s32 $0x0;
	s11 =	simm.s32 $0x2  }
0x5: {  	s12 =	simm.s32 $0x8000;
	s13 =	simm.s32 $0x3;
	s14 =	simm.s32 $0x0  }
0x6: {  	s4 =	sand.u32 $0x1, s1;
	s7 =	sshll.u32 s0, $0x1;
	s1 =	rddreg [dreg:$0x3]  }
0x7: {  	[smem:$0x7FF] =	sst s2;
	s28 =	sshll.u32 s0, $0xE;
	s7 =	sor.u32 s4, s7  }
0x8: {  	_ =	strace $0x80000047;
	s4 =	ssub.s32 $0x2, s4;
	s9 =	sand.u32 $0x38000, s28  }
0x9: {  	s8 =	sshll.u32 s7, $0x12;
	s7 =	sshll.u32 s7, $0x5;
	s10 =	sshrl.u32 s4, $0x1  }
0xa: {  	s8 =	sand.u32 $0xC0000, s8;
	s7 =	sadd.s32 s7, s3;
	s29 =	ssub.s32 s4, s10  }
.Ltmp0:
0xb: {  	s10 =	simm.s32 $0x1;
	s8 =	sor.u32 $0x300000, s8;
	(pc) =	sbr.rel .LBB2_1-.Ltmp0, $4  }
0xc: {  	s7 =	sadd.s32 $0x600, s7;
	s3 =	sor.u32 s8, s28;
	s8 =	sor.u32 s9, s8  }
0xd: {  	s9 =	simm.s32 $0x4000;
	s3 =	sshrl.u32 s3, $0x3;
	s30 =	sshrl.u32 s8, $0x3  }
0xe: {  	s8 =	smax.u32 s29, $0x1;
	s31 =	sor.u32 $0x800, s3;
	s3 =	sadd.s32 s5, s30  }
0xf: {  	s4 =	sadd.s32 s6, s30;
	s5 =	sadd.s32 s5, s31;
	s6 =	sadd.s32 s6, s31  }
.LBB2_8:
0x10: {  	s14 =	sadd.s32 $0x1, s14  }
0x11: {  	[tilespmem:$0x8000] =	vst v1;
	p0 =	sne.s32 s14, s8  }
.Ltmp1:
0x12: {  	[tilespmem:$0x8080] =	vst v0;
	(pc) =	sbr.rel @!p0 .LBB2_9-.Ltmp1, $4  }
0x13: {  	[hbm4b:s7+s2] =	stream.linear.scatter [tilespmem:s12], [sflag:$0x3], $0x100, $0x38;
	[tilespmem:$0x8100] =	vst v63  }
0x14: {  	_ =	swait.ge [sflag:s13], $0x100  }
0x15: {  	[sflag:s13] =	ssyncset.done $0x0  }
0x16: {  	[sflag:s13] =	ssyncadd.s32 $0xFFFFFF00  }
.LBB2_1:
0x17: {  	[tilespmem:s2], [sflag:$0x1] =	stream.linear.gather [hbm4b:s3+s2], $0x4000, $0x38;
	[tilespmem:$0x8100] =	vst v63  }
0x18: {  	p0 =	por $0x1, $0x1;
	v0 =	vimm.s32 $0x0;
	s16 =	smov.u32 s4;
	v1 =	vimm.s32 $0x0  }
.LBB2_2:
0x19: {  	s15 =	simm.s32 $0x0  }
0x1a: {  	[tilespmem:s9], [sflag:$0x2] =	stream.linear.gather [hbm4b:s16+s15], $0x4000, $0x38;
	[tilespmem:$0x8100] =	vst v63  }
0x1b: {  	_ =	swait.ge [sflag:s10], $0x4000  }
0x1c: {  	s29 =	sand.u32 $0x70, s15;
	s17 =	sand.u32 $0x3C00, s15;
	[sflag:s10] =	ssyncset.done $0x0  }
0x1d: {  	s20 =	sor.u32 s29, s17;
	[sflag:s10] =	ssyncadd.s32 $0xFFFFC000  }
0x1e: {  	v5 =	vld [tilespmem:s20+$0x0]  }
0x1f: {  	v7 =	vld [tilespmem:s20+$0x80]  }
0x20: {  	v4 =	vld [tilespmem:s20+$0x100]  }
0x21: {  	s30 =	sand.u32 $0x7, s15;
	v2 =	vld [tilespmem:s20+$0x180]  }
0x22: {  	s31 =	simm.s32 $0x10;
	s16 =	sshll.u32 s30, $0x4;
	v3 =	vld [tilespmem:s20+$0x200]  }
0x23: {  	s18 =	sand.u32 $0x70, s31;
	s21 =	sadd.s32 $0x0, s16;
	s16 =	simm.s32 $0x80;
	v6 =	vshra.s32 v5, $0x1F;
	v5 =	vld [tilespmem:s20+$0x280]  }
0x24: {  	s17 =	simm.s32 $0x20;
	s19 =	sand.u32 $0x3C00, s16;
	v7 =	vshra.s32 v7, $0x1F;
	v6 =	vadd.s32 v1, v6;
	v1 =	vld [tilespmem:s20+$0x300];
	s20 =	sor.u32 $0x380, s21  }
.LBB2_3:
0x25: {  	p1 =	sne.s32 s17, $0x7F0;
	s21 =	sor.u32 s18, s19;
	v6 =	vadd.s32 v7, v6;
	v4 =	vshra.s32 v4, $0x1F;
	v7 =	vld [tilespmem:s20+$0x0]  }
0x26: {  	v8 =	vld [tilespmem:s21+$0x0];
	v4 =	vadd.s32 v4, v6;
	v2 =	vshra.s32 v2, $0x1F  }
0x27: {  	v9 =	vld [tilespmem:s21+$0x80];
	v2 =	vadd.s32 v2, v4;
	v3 =	vshra.s32 v3, $0x1F  }
.Ltmp2:
0x28: {  	s15 =	sadd.s32 $0x1, s15;
	v4 =	vld [tilespmem:s21+$0x100];
	v3 =	vadd.s32 v3, v2;
	v5 =	vshra.s32 v5, $0x1F;
	(pc) =	sbr.rel @p1 .LBB2_3-.Ltmp2, $4  }
0x29: {  	s18 =	sand.u32 $0x7, s15;
	v2 =	vld [tilespmem:s21+$0x180];
	v5 =	vadd.s32 v5, v3;
	v1 =	vshra.s32 v1, $0x1F  }
0x2a: {  	s19 =	sshll.u32 s18, $0x4;
	v3 =	vld [tilespmem:s21+$0x200];
	v1 =	vadd.s32 v1, v5;
	v6 =	vshra.s32 v7, $0x1F  }
0x2b: {  	s18 =	sand.u32 $0x70, s17;
	s20 =	sadd.s32 s19, s16;
	s16 =	sadd.s32 $0x80, s16;
	v7 =	vshra.s32 v8, $0x1F;
	v5 =	vld [tilespmem:s21+$0x280];
	v1 =	vadd.s32 v6, v1  }
0x2c: {  	s17 =	sadd.s32 $0x10, s17;
	s19 =	sand.u32 $0x3C00, s16;
	s20 =	sor.u32 $0x380, s20;
	v6 =	vadd.s32 v1, v7;
	v7 =	vshra.s32 v9, $0x1F;
	v1 =	vld [tilespmem:s21+$0x300]  }
0x2d: {  	s17 =	sor.u32 s18, s19;
	v8 =	vld [tilespmem:s20+$0x0]  }
0x2e: {  	v9 =	vld [tilespmem:s17+$0x0]  }
0x2f: {  	s15 =	sadd.s32 $0x1, s15;
	v10 =	vld [tilespmem:s17+$0x80]  }
0x30: {  	v11 =	vld [tilespmem:s17+$0x100];
	s15 =	sand.u32 $0x7, s15  }
0x31: {  	v6 =	vadd.s32 v7, v6;
	v4 =	vshra.s32 v4, $0x1F;
	v12 =	vld [tilespmem:s17+$0x180];
	s15 =	sshll.u32 s15, $0x4  }
0x32: {  	v7 =	vld [tilespmem:s17+$0x200];
	v4 =	vadd.s32 v4, v6;
	v2 =	vshra.s32 v2, $0x1F;
	s15 =	sadd.s32 s15, s16  }
0x33: {  	v6 =	vld [tilespmem:s17+$0x280];
	v2 =	vadd.s32 v2, v4;
	v3 =	vshra.s32 v3, $0x1F;
	s15 =	sor.u32 $0x380, s15  }
0x34: {  	v2 =	vadd.s32 v3, v2;
	v3 =	vshra.s32 v5, $0x1F;
	v5 =	vld [tilespmem:s15+$0x0];
	s15 =	simm.s32 @p0 $0x0  }
0x35: {  	v4 =	vld [tilespmem:s17+$0x300];
	v2 =	vadd.s32 v3, v2;
	v1 =	vshra.s32 v1, $0x1F;
	[tilespmem:s15], [sflag:$0x1] =	stream.linear.gather @p0 [hbm4b:s5+s15], $0x4000, $0x38  }
0x36: {  	v1 =	vadd.s32 v1, v2;
	v2 =	vshra.s32 v8, $0x1F;
	s15 =	simm.s32 $0x0;
	_ =	swait.ge [sflag:s11], $0x4000  }
0x37: {  	v1 =	vadd.s32 v2, v1;
	v2 =	vshra.s32 v9, $0x1F;
	s26 =	sand.u32 $0x70, s15;
	s28 =	sand.u32 $0x3C00, s15;
	[sflag:s11] =	ssyncset.done $0x0  }
0x38: {  	v1 =	vadd.s32 v1, v2;
	v2 =	vshra.s32 v10, $0x1F;
	s29 =	sor.u32 s26, s28;
	[sflag:s11] =	ssyncadd.s32 $0xFFFFC000  }
0x39: {  	v1 =	vadd.s32 v2, v1;
	v2 =	vshra.s32 v11, $0x1F;
	v8 =	vld [tilespmem:s29+$0x4000]  }
0x3a: {  	v1 =	vadd.s32 v2, v1;
	v2 =	vshra.s32 v12, $0x1F;
	v63 =	vld [tilespmem:s29+$0x4080]  }
0x3b: {  	v3 =	vshra.s32 v7, $0x1F;
	v1 =	vadd.s32 v2, v1;
	v2 =	vld [tilespmem:s29+$0x4100]  }
0x3c: {  	v6 =	vshra.s32 v6, $0x1F;
	s30 =	sand.u32 $0x7, s15;
	v1 =	vadd.s32 v3, v1;
	v3 =	vld [tilespmem:s29+$0x4180]  }
0x3d: {  	s31 =	simm.s32 $0x10;
	s16 =	sshll.u32 s30, $0x4;
	v1 =	vadd.s32 v6, v1;
	v6 =	vshra.s32 v4, $0x1F;
	v4 =	vld [tilespmem:s29+$0x4200]  }
0x3e: {  	s18 =	sand.u32 $0x70, s31;
	s21 =	sadd.s32 $0x0, s16;
	s16 =	simm.s32 $0x80;
	v1 =	vadd.s32 v6, v1;
	v6 =	vshra.s32 v5, $0x1F;
	v5 =	vld [tilespmem:s29+$0x4280];
	v7 =	vshra.s32 v8, $0x1F  }
0x3f: {  	s17 =	simm.s32 $0x20;
	s19 =	sand.u32 $0x3C00, s16;
	s20 =	sor.u32 $0x380, s21;
	v1 =	vadd.s32 v6, v1;
	v6 =	vadd.s32 v0, v7;
	v7 =	vshra.s32 v63, $0x1F;
	v0 =	vld [tilespmem:s29+$0x4300]  }
.LBB2_5:
0x40: {  	p1 =	sne.s32 s17, $0x7F0;
	s21 =	sor.u32 s18, s19;
	v6 =	vadd.s32 v7, v6;
	v2 =	vshra.s32 v2, $0x1F;
	v7 =	vld [tilespmem:s20+$0x4000]  }
0x41: {  	v8 =	vld [tilespmem:s21+$0x4000];
	v2 =	vadd.s32 v2, v6;
	v3 =	vshra.s32 v3, $0x1F  }
0x42: {  	v9 =	vld [tilespmem:s21+$0x4080];
	v3 =	vadd.s32 v3, v2;
	v4 =	vshra.s32 v4, $0x1F  }
.Ltmp3:
0x43: {  	s15 =	sadd.s32 $0x1, s15;
	v2 =	vld [tilespmem:s21+$0x4100];
	v4 =	vadd.s32 v4, v3;
	v5 =	vshra.s32 v5, $0x1F;
	(pc) =	sbr.rel @p1 .LBB2_5-.Ltmp3, $4  }
0x44: {  	s18 =	sand.u32 $0x7, s15;
	v3 =	vld [tilespmem:s21+$0x4180];
	v5 =	vadd.s32 v5, v4;
	v0 =	vshra.s32 v0, $0x1F  }
0x45: {  	s19 =	sshll.u32 s18, $0x4;
	v4 =	vld [tilespmem:s21+$0x4200];
	v0 =	vadd.s32 v0, v5;
	v6 =	vshra.s32 v7, $0x1F  }
0x46: {  	s18 =	sand.u32 $0x70, s17;
	s20 =	sadd.s32 s19, s16;
	s16 =	sadd.s32 $0x80, s16;
	v7 =	vshra.s32 v8, $0x1F;
	v5 =	vld [tilespmem:s21+$0x4280];
	v0 =	vadd.s32 v6, v0  }
0x47: {  	s17 =	sadd.s32 $0x10, s17;
	s19 =	sand.u32 $0x3C00, s16;
	s20 =	sor.u32 $0x380, s20;
	v6 =	vadd.s32 v0, v7;
	v7 =	vshra.s32 v9, $0x1F;
	v0 =	vld [tilespmem:s21+$0x4300]  }
0x48: {  	s17 =	sor.u32 s18, s19;
	v6 =	vadd.s32 v7, v6;
	v2 =	vshra.s32 v2, $0x1F;
	v56 =	vld [tilespmem:s20+$0x4000]  }
0x49: {  	v8 =	vld [tilespmem:s17+$0x4000];
	v2 =	vadd.s32 v2, v6;
	v3 =	vshra.s32 v3, $0x1F  }
0x4a: {  	v57 =	vld [tilespmem:s17+$0x4080];
	v2 =	vadd.s32 v3, v2;
	v3 =	vshra.s32 v4, $0x1F  }
0x4b: {  	s15 =	sadd.s32 $0x1, s15;
	v58 =	vld [tilespmem:s17+$0x4100];
	v2 =	vadd.s32 v3, v2;
	v3 =	vshra.s32 v5, $0x1F  }
0x4c: {  	s15 =	sand.u32 $0x7, s15;
	v59 =	vld [tilespmem:s17+$0x4180];
	v2 =	vadd.s32 v3, v2;
	v0 =	vshra.s32 v0, $0x1F  }
0x4d: {  	s15 =	sshll.u32 s15, $0x4;
	v3 =	vld [tilespmem:s17+$0x4200];
	v0 =	vadd.s32 v0, v2;
	v2 =	vshra.s32 v56, $0x1F  }
0x4e: {  	v61 =	vld [tilespmem:s17+$0x4280];
	s15 =	sadd.s32 s15, s16;
	v60 =	vshra.s32 v8, $0x1F;
	v0 =	vadd.s32 v2, v0  }
0x4f: {  	v62 =	vld [tilespmem:s17+$0x4300];
	s15 =	sor.u32 $0x380, s15;
	v2 =	vshra.s32 v57, $0x1F;
	v0 =	vadd.s32 v0, v60  }
0x50: {  	v63 =	vld [tilespmem:s15+$0x4000];
	v0 =	vadd.s32 v2, v0;
	v2 =	vshra.s32 v58, $0x1F  }
0x51: {  	v0 =	vadd.s32 v2, v0;
	v2 =	vshra.s32 v59, $0x1F  }
.Ltmp4:
0x52: {  	v0 =	vadd.s32 v2, v0;
	v2 =	vshra.s32 v3, $0x1F;
	(pc) =	sbr.rel @!p0 .LBB2_8-.Ltmp4, $4  }
0x53: {  	v0 =	vadd.s32 v2, v0;
	v2 =	vshra.s32 v61, $0x1F  }
0x54: {  	v0 =	vadd.s32 v2, v0;
	v2 =	vshra.s32 v62, $0x1F  }
0x55: {  	v0 =	vadd.s32 v2, v0;
	v2 =	vshra.s32 v63, $0x1F  }
0x56: {  	v0 =	vadd.s32 v2, v0  }
.Ltmp5:
0x57: {  	(pc) =	sbr.rel .LBB2_2-.Ltmp5, $2  }
0x58: {  	_ =	sdelay $0x2  }
0x59: {  	p0 =	por $0x0, $0x0;
	s16 =	smov.u32 s6  }
.LBB2_9:
0x5a: {  	_ =	sfence.sel $0x180000  }
0x5b: {  	[bflag:$0x0] =	sbarrier.arrive $0xFFFF  }
0x5c: {  	p0 =	sne.s32 s0, $0x0;
	_ =	strace $0x90000047  }
0x5d: {  	s0 =	sadd.s32 @!p0 $0x100000, s1;
	[bflag:$0x2] =	sbarrier.arrive $0xFFFF  }
0x5e: {  	[sflag:s0] =	ssyncadd.tile.s32 @!p0 $0x1;
	_ =	shalt  }
.Lfunc_end2:
_tile_overlayer_lowered:
.L_overlay_start_2:
0x5f: {  	(tag) =	ssettag $0x2  }
0x60: {  	s0 =	rddreg [dreg:$0x0];
	s2 =	stileid.u32  }
0x61: {  	s1 =	rddreg [dreg:$0x1];
	p0 =	sne.s32 s2, $0x0  }
0x62: {  	s3 =	rddreg [dreg:$0x2];
	[bflag:$0x3] =	sbarrier.arrive $0xFFFF;
	s2 =	simm.s32 @!p0 $0x1C03  }
0x63: {  	[timem:s3], [sflag:s2] =	dma.local @!p0 [hbm:s0], s1  }
0x64: {  	s0 =	simm.s32 @!p0 $0x3  }
0x65: {  	_ =	swait.ge @!p0 [sflag:s0], s1  }
0x66: {  	s1 =	ssub.s32 @!p0 $0x0, s1;
	[sflag:s0] =	ssyncset.done @!p0 $0x0  }
0x67: {  	[sflag:s0] =	ssyncadd.s32 @!p0 s1  }
0x68: {  	[bflag:$0x3] =	sbarrier.arrive $0xFFFF  }
0x69: {  	_ =	shalt  }

</sc_bundles>
